<compile_context>
chip_gen: v7x
topology: tpu7x:2x2x1
jax: 0.10.2.dev20260603
libtpu: 0.0.44.dev20260713+nightly
codegen_flags: <defaults>
</compile_context>

<pallas_src>
import functools

import jax
import jax.numpy as jnp
from jax import lax
from jax.experimental import pallas as pl
from jax.experimental.pallas import tpu as pltpu
from jax.experimental.pallas import tpu_sc as plsc

N = 10000
E = 320000
D = 128
L = 5
G = 256

NC = 2
NS = 16
NW = NC * NS
CHUNK = 128
CPW = -(-E // (NW * CHUNK))
E_PAD = CPW * NW * CHUNK
ROWS_PER_TILE = -(-(-(-N // NS)) // 8) * 8
N_PAD = ROWS_PER_TILE * NS



def _sc_body(src_hbm, dst_hbm, h_hbm, zeros_hbm, out_hbm,
             src_v, dst_v, rows_v, agg_sh, sem):
    c = lax.axis_index("c")
    s = lax.axis_index("s")
    wid = s * NC + c
    row0 = s * ROWS_PER_TILE

    pltpu.sync_copy(zeros_hbm, agg_sh.at[pl.ds(row0, ROWS_PER_TILE)])
    pltpu.sync_copy(src_hbm.at[wid], src_v)
    pltpu.sync_copy(dst_hbm.at[wid], dst_v)
    plsc.subcore_barrier()

    def step(j, carry):
        pltpu.async_copy(h_hbm.at[src_v.at[j]], rows_v, sem).wait()
        return carry

    lax.fori_loop(0, CPW, step, 0)
    plsc.subcore_barrier()

    pltpu.sync_copy(agg_sh.at[pl.ds(row0, ROWS_PER_TILE)],
                    out_hbm.at[c, pl.ds(row0, ROWS_PER_TILE)])


@functools.cache
def _sc_scatter():
    return pl.kernel(
        _sc_body,
        mesh=plsc.VectorSubcoreMesh(core_axis_name="c", subcore_axis_name="s"),
        out_type=jax.ShapeDtypeStruct((NC, N_PAD, D), jnp.float32),
        scratch_types=[
            pltpu.VMEM((CPW, CHUNK), jnp.int32),
            pltpu.VMEM((CPW, CHUNK), jnp.int32),
            pltpu.VMEM((CHUNK, D), jnp.float32),
            pltpu.VMEM_SHARED((N_PAD, D), jnp.float32),
            pltpu.SemaphoreType.DMA,
        ],
    )



def _tc_input_body(x_ref, w_ref, b_ref, o_ref):
    acc = jnp.dot(x_ref[...], w_ref[...], preferred_element_type=jnp.float32)
    o_ref[...] = jnp.maximum(acc + b_ref[...], 0.0)


def _bn_relu(t, g_ref, be_ref):
    m = jnp.mean(t, axis=0, keepdims=True)
    v = jnp.mean((t - m) * (t - m), axis=0, keepdims=True)
    return jnp.maximum(g_ref[...] * (t - m) / jnp.sqrt(v + 1e-5)
                       + be_ref[...], 0.0)


def _tc_layer_body(h_ref, agg_ref, scale_ref, w1_ref, b1_ref, g1_ref, be1_ref,
                   w2_ref, b2_ref, g2_ref, be2_ref, o_ref):
    h = h_ref[...]
    agg = agg_ref[0, :N, :] + agg_ref[1, :N, :]
    z = scale_ref[0, 0] * h + agg
    t = jnp.dot(z, w1_ref[...], preferred_element_type=jnp.float32) + b1_ref[...]
    t = _bn_relu(t, g1_ref, be1_ref)
    t = jnp.dot(t, w2_ref[...], preferred_element_type=jnp.float32) + b2_ref[...]
    o_ref[...] = _bn_relu(t, g2_ref, be2_ref)


def _tc_final_body(h_ref, batch_ref, wh1_ref, bh1_ref, wh2_ref, bh2_ref,
                   o_ref):
    gids = lax.broadcasted_iota(jnp.int32, (G, N), 0)
    onehot = (batch_ref[...] == gids).astype(jnp.float32)
    counts = jnp.maximum(jnp.sum(onehot, axis=1, keepdims=True), 1.0)
    pooled = jnp.dot(onehot, h_ref[...],
                     preferred_element_type=jnp.float32) / counts
    q = jnp.maximum(
        jnp.dot(pooled, wh1_ref[...], preferred_element_type=jnp.float32)
        + bh1_ref[...], 0.0)
    o_ref[...] = (jnp.sum(q * wh2_ref[...], axis=1)
                  + bh2_ref[0, 0])[None, :]


def _vmem_call(body, out_shape, *args):
    return pl.pallas_call(
        body,
        out_shape=out_shape,
        in_specs=[pl.BlockSpec(memory_space=pltpu.VMEM) for _ in args],
        out_specs=pl.BlockSpec(memory_space=pltpu.VMEM),
    )(*args)



def kernel(x, edge_index, batch, W_in, b_in, eps, W1, b1, g1, be1,
           W2, b2, g2, be2, Wh1, bh1, Wh2, bh2):
    src = edge_index[0]
    dst = edge_index[1]
    pad = E_PAD - E
    src_p = jnp.concatenate([src, jnp.zeros((pad,), jnp.int32)])
    dst_p = jnp.concatenate([dst, jnp.full((pad,), N, jnp.int32)])
    src_p = src_p.reshape(NW, CPW, CHUNK)
    dst_p = dst_p.reshape(NW, CPW, CHUNK)
    zeros_rows = jnp.zeros((ROWS_PER_TILE, D), jnp.float32)

    h = _vmem_call(_tc_input_body, jax.ShapeDtypeStruct((N, D), jnp.float32),
                   x, W_in, b_in.reshape(1, D))

    for l in range(L):
        aggs = _sc_scatter()(src_p, dst_p, h, zeros_rows)
        scale = (1.0 + eps[l]).reshape(1, 1)
        h = _vmem_call(
            _tc_layer_body, jax.ShapeDtypeStruct((N, D), jnp.float32),
            h, aggs, scale,
            W1[l], b1[l].reshape(1, D), g1[l].reshape(1, D),
            be1[l].reshape(1, D),
            W2[l], b2[l].reshape(1, D), g2[l].reshape(1, D),
            be2[l].reshape(1, D))

    out_row = _vmem_call(
        _tc_final_body, jax.ShapeDtypeStruct((1, G), jnp.float32),
        h, batch.reshape(1, N), Wh1, bh1.reshape(1, D // 2),
        Wh2.reshape(1, D // 2), bh2.reshape(1, 1))
    return out_row.reshape(G, 1)

# --- scband reference (transcript-rebuilt; emitter-appended) ---
"""Pipeline reference for scband-ginmolecule-net-8237747274041 (READ-ONLY COPY).

The authoritative reference and input builder live on the scoring server;
editing this copy changes nothing except your own understanding.
"""

import jax, jax.numpy as jnp
import numpy as np

N = 10000
E = 320000
D = 128
L = 5
G = 256

def setup_inputs(seed: int = 0) -> dict:
    key = jax.random.key(seed)
    ks = jax.random.split(key, 12)
    x = jax.random.normal(ks[0], (N, D), dtype=jnp.float32)
    edge_index = jax.random.randint(ks[1], (2, E), 0, N, dtype=jnp.int32)
    batch = jnp.sort(jax.random.randint(ks[2], (N,), 0, G, dtype=jnp.int32))
    W_in = jax.random.normal(ks[3], (D, D), dtype=jnp.float32) * 0.05
    b_in = jnp.zeros((D,), dtype=jnp.float32)
    eps = jnp.zeros((L,), dtype=jnp.float32)
    W1 = jax.random.normal(ks[4], (L, D, D), dtype=jnp.float32) * 0.05
    b1 = jnp.zeros((L, D), dtype=jnp.float32)
    g1 = jnp.ones((L, D), dtype=jnp.float32)
    be1 = jnp.zeros((L, D), dtype=jnp.float32)
    W2 = jax.random.normal(ks[5], (L, D, D), dtype=jnp.float32) * 0.05
    b2 = jnp.zeros((L, D), dtype=jnp.float32)
    g2 = jnp.ones((L, D), dtype=jnp.float32)
    be2 = jnp.zeros((L, D), dtype=jnp.float32)
    Wh1 = jax.random.normal(ks[6], (D, D // 2), dtype=jnp.float32) * 0.05
    bh1 = jnp.zeros((D // 2,), dtype=jnp.float32)
    Wh2 = jax.random.normal(ks[7], (D // 2, 1), dtype=jnp.float32) * 0.05
    bh2 = jnp.zeros((1,), dtype=jnp.float32)
    return {"x": x, "edge_index": edge_index, "batch": batch,
            "W_in": W_in, "b_in": b_in, "eps": eps,
            "W1": W1, "b1": b1, "g1": g1, "be1": be1,
            "W2": W2, "b2": b2, "g2": g2, "be2": be2,
            "Wh1": Wh1, "bh1": bh1, "Wh2": Wh2, "bh2": bh2}

def _bn(h, g, b):
    m = jnp.mean(h, axis=0)
    v = jnp.var(h, axis=0)
    return g * (h - m) / jnp.sqrt(v + 1e-5) + b

def reference(x, edge_index, batch, W_in, b_in, eps, W1, b1, g1, be1, W2, b2, g2, be2, Wh1, bh1, Wh2, bh2):
    src = edge_index[0]
    dst = edge_index[1]
    h = jax.nn.relu(x @ W_in + b_in)
    for l in range(L):
        agg = jnp.zeros_like(h).at[dst].add(h[src])
        z = (1.0 + eps[l]) * h + agg
        z = jax.nn.relu(_bn(z @ W1[l] + b1[l], g1[l], be1[l]))
        z = jax.nn.relu(_bn(z @ W2[l] + b2[l], g2[l], be2[l]))
        h = z
    counts = jnp.maximum(jax.ops.segment_sum(jnp.ones((N,), jnp.float32), batch, num_segments=G), 1.0)
    pooled = jax.ops.segment_sum(h, batch, num_segments=G) / counts[:, None]
    out = jax.nn.relu(pooled @ Wh1 + bh1) @ Wh2 + bh2
    return out

if __name__ == "__main__":
    import jax
    _d = setup_inputs()
    print(jax.jit(kernel)(*tuple(_d.values())))

</pallas_src>

<mosaic_0001>
#map = affine_map<(d0, d1) -> (0, 0, 0)>
#map1 = affine_map<(d0, d1) -> (0, 0)>
module attributes {stable_mosaic.version = 14 : i64} {
  func.func @_sc_body(%arg0: i32, %arg1: i32, %arg2: memref<32x79x128xi32, #tpu.memory_space<hbm>>, %arg3: memref<32x79x128xi32, #tpu.memory_space<hbm>>, %arg4: memref<10000x128xf32, #tpu.memory_space<hbm>>, %arg5: memref<632x128xf32, #tpu.memory_space<hbm>>, %arg6: memref<2x10112x128xf32, #tpu.memory_space<hbm>>, %arg7: memref<79x128xi32, #tpu.memory_space<vmem>>, %arg8: memref<79x128xi32, #tpu.memory_space<vmem>>, %arg9: memref<128x128xf32, #tpu.memory_space<vmem>>, %arg10: memref<10112x128xf32, #tpu.memory_space<vmem_shared>>, %arg11: memref<!tpu.dma_semaphore, #tpu.memory_space<semaphore_mem>>) attributes {dimension_semantics = [#tpu.dimension_semantics<core_parallel>, #tpu.dimension_semantics<subcore_parallel>], iteration_bounds = array<i64: 2, 16>, scalar_prefetch = 0 : i64, scratch_operands = 5 : i64, tpu.core_type = #tpu.core_type<sc_vector_subcore>, window_params = [{transform_indices = #map}, {transform_indices = #map}, {transform_indices = #map1}, {transform_indices = #map1}, {transform_indices = #map}]} {
    %mul3A = arith.constant 2 : i32
    %mul3A_0 = arith.muli %arg1, %mul3A : i32
    %add3A = arith.addi %mul3A_0, %arg0 : i32
    %mul3A_1 = arith.constant 632 : i32
    %mul3A_2 = arith.muli %arg1, %mul3A_1 : i32
    "tpu.region"() ({
      %run_scoped3A = tpu.sem_alloc : memref<!tpu.dma_semaphore, #tpu.memory_space<semaphore_mem>>
      %dma_start3A = arith.constant 0 : i32
      %dma_start3A_9 = tpu.memref_slice %arg10[%mul3A_2, %dma_start3A] : memref<10112x128xf32, #tpu.memory_space<vmem_shared>> -> memref<632x128xf32, #tpu.memory_space<vmem_shared>>
      tpu.enqueue_dma source(%arg5 : memref<632x128xf32, #tpu.memory_space<hbm>>) target(%dma_start3A_9 : memref<632x128xf32, #tpu.memory_space<vmem_shared>>) target_semaphore(%run_scoped3A : memref<!tpu.dma_semaphore, #tpu.memory_space<semaphore_mem>>)
      %dma_wait3A = arith.constant 0 : i32
      %dma_wait3A_10 = tpu.memref_slice %arg10[%mul3A_2, %dma_wait3A] : memref<10112x128xf32, #tpu.memory_space<vmem_shared>> -> memref<632x128xf32, #tpu.memory_space<vmem_shared>>
      tpu.wait_dma2 semaphore(%run_scoped3A : memref<!tpu.dma_semaphore, #tpu.memory_space<semaphore_mem>>) src(%arg5 : memref<632x128xf32, #tpu.memory_space<hbm>>) dst(%dma_wait3A_10 : memref<632x128xf32, #tpu.memory_space<vmem_shared>>)
      tpu.yield
    }) : () -> ()
    "tpu.region"() ({
      %run_scoped3A = tpu.sem_alloc : memref<!tpu.dma_semaphore, #tpu.memory_space<semaphore_mem>>
      %dma_start3A = arith.constant 0 : i32
      %dma_start3A_9 = arith.constant 0 : i32
      %dma_start3A_10 = tpu.memref_slice %arg2[%add3A, %dma_start3A, %dma_start3A_9] : memref<32x79x128xi32, #tpu.memory_space<hbm>> -> memref<1x79x128xi32, #tpu.memory_space<hbm>>
      %dma_start3A_11 = tpu.memref_squeeze %dma_start3A_10 : memref<1x79x128xi32, #tpu.memory_space<hbm>> -> memref<79x128xi32, #tpu.memory_space<hbm>>
      %dma_start3A_12 = arith.constant 0 : i32
      %dma_start3A_13 = arith.constant 0 : i32
      %dma_start3A_14 = tpu.memref_slice %arg2[%add3A, %dma_start3A_12, %dma_start3A_13] : memref<32x79x128xi32, #tpu.memory_space<hbm>> -> memref<1x79x128xi32, #tpu.memory_space<hbm>>
      %dma_start3A_15 = tpu.memref_squeeze %dma_start3A_14 : memref<1x79x128xi32, #tpu.memory_space<hbm>> -> memref<79x128xi32, #tpu.memory_space<hbm>>
      tpu.enqueue_dma source(%dma_start3A_15 : memref<79x128xi32, #tpu.memory_space<hbm>>) target(%arg7 : memref<79x128xi32, #tpu.memory_space<vmem>>) target_semaphore(%run_scoped3A : memref<!tpu.dma_semaphore, #tpu.memory_space<semaphore_mem>>)
      %dma_wait3A = arith.constant 0 : i32
      %dma_wait3A_16 = arith.constant 0 : i32
      %dma_wait3A_17 = tpu.memref_slice %arg2[%add3A, %dma_wait3A, %dma_wait3A_16] : memref<32x79x128xi32, #tpu.memory_space<hbm>> -> memref<1x79x128xi32, #tpu.memory_space<hbm>>
      %dma_wait3A_18 = tpu.memref_squeeze %dma_wait3A_17 : memref<1x79x128xi32, #tpu.memory_space<hbm>> -> memref<79x128xi32, #tpu.memory_space<hbm>>
      %dma_wait3A_19 = arith.constant 0 : i32
      %dma_wait3A_20 = arith.constant 0 : i32
      %dma_wait3A_21 = tpu.memref_slice %arg2[%add3A, %dma_wait3A_19, %dma_wait3A_20] : memref<32x79x128xi32, #tpu.memory_space<hbm>> -> memref<1x79x128xi32, #tpu.memory_space<hbm>>
      %dma_wait3A_22 = tpu.memref_squeeze %dma_wait3A_21 : memref<1x79x128xi32, #tpu.memory_space<hbm>> -> memref<79x128xi32, #tpu.memory_space<hbm>>
      tpu.wait_dma2 semaphore(%run_scoped3A : memref<!tpu.dma_semaphore, #tpu.memory_space<semaphore_mem>>) src(%dma_wait3A_22 : memref<79x128xi32, #tpu.memory_space<hbm>>) dst(%arg7 : memref<79x128xi32, #tpu.memory_space<vmem>>)
      tpu.yield
    }) : () -> ()
    "tpu.region"() ({
      %run_scoped3A = tpu.sem_alloc : memref<!tpu.dma_semaphore, #tpu.memory_space<semaphore_mem>>
      %dma_start3A = arith.constant 0 : i32
      %dma_start3A_9 = arith.constant 0 : i32
      %dma_start3A_10 = tpu.memref_slice %arg3[%add3A, %dma_start3A, %dma_start3A_9] : memref<32x79x128xi32, #tpu.memory_space<hbm>> -> memref<1x79x128xi32, #tpu.memory_space<hbm>>
      %dma_start3A_11 = tpu.memref_squeeze %dma_start3A_10 : memref<1x79x128xi32, #tpu.memory_space<hbm>> -> memref<79x128xi32, #tpu.memory_space<hbm>>
      %dma_start3A_12 = arith.constant 0 : i32
      %dma_start3A_13 = arith.constant 0 : i32
      %dma_start3A_14 = tpu.memref_slice %arg3[%add3A, %dma_start3A_12, %dma_start3A_13] : memref<32x79x128xi32, #tpu.memory_space<hbm>> -> memref<1x79x128xi32, #tpu.memory_space<hbm>>
      %dma_start3A_15 = tpu.memref_squeeze %dma_start3A_14 : memref<1x79x128xi32, #tpu.memory_space<hbm>> -> memref<79x128xi32, #tpu.memory_space<hbm>>
      tpu.enqueue_dma source(%dma_start3A_15 : memref<79x128xi32, #tpu.memory_space<hbm>>) target(%arg8 : memref<79x128xi32, #tpu.memory_space<vmem>>) target_semaphore(%run_scoped3A : memref<!tpu.dma_semaphore, #tpu.memory_space<semaphore_mem>>)
      %dma_wait3A = arith.constant 0 : i32
      %dma_wait3A_16 = arith.constant 0 : i32
      %dma_wait3A_17 = tpu.memref_slice %arg3[%add3A, %dma_wait3A, %dma_wait3A_16] : memref<32x79x128xi32, #tpu.memory_space<hbm>> -> memref<1x79x128xi32, #tpu.memory_space<hbm>>
      %dma_wait3A_18 = tpu.memref_squeeze %dma_wait3A_17 : memref<1x79x128xi32, #tpu.memory_space<hbm>> -> memref<79x128xi32, #tpu.memory_space<hbm>>
      %dma_wait3A_19 = arith.constant 0 : i32
      %dma_wait3A_20 = arith.constant 0 : i32
      %dma_wait3A_21 = tpu.memref_slice %arg3[%add3A, %dma_wait3A_19, %dma_wait3A_20] : memref<32x79x128xi32, #tpu.memory_space<hbm>> -> memref<1x79x128xi32, #tpu.memory_space<hbm>>
      %dma_wait3A_22 = tpu.memref_squeeze %dma_wait3A_21 : memref<1x79x128xi32, #tpu.memory_space<hbm>> -> memref<79x128xi32, #tpu.memory_space<hbm>>
      tpu.wait_dma2 semaphore(%run_scoped3A : memref<!tpu.dma_semaphore, #tpu.memory_space<semaphore_mem>>) src(%dma_wait3A_22 : memref<79x128xi32, #tpu.memory_space<hbm>>) dst(%arg8 : memref<79x128xi32, #tpu.memory_space<vmem>>)
      tpu.yield
    }) : () -> ()
    %barrier3A = arith.constant 0 : index
    tpu.barrier barrier_id(%barrier3A)
    %scan3A = arith.constant 0 : i32
    %scan3A_3 = arith.constant 0 : i32
    %scan3A_4 = arith.constant 79 : i32
    %scan3A_5 = arith.addi %scan3A_3, %scan3A_4 : i32
    %scan3A_6 = arith.constant 1 : i32
    scf.for %scan3A_9 = %scan3A_3 to %scan3A_5 step %scan3A_6  : i32 {
      %dma_start3A = arith.constant 0 : i32
      %dma_start3A_10 = tpu.memref_slice %arg7[%scan3A_9, %dma_start3A] : memref<79x128xi32, #tpu.memory_space<vmem>> -> memref<1x128xi32, #tpu.memory_space<vmem>>
      %dma_start3A_11 = tpu.memref_squeeze %dma_start3A_10 : memref<1x128xi32, #tpu.memory_space<vmem>> -> memref<128xi32, #tpu.memory_space<vmem>>
      %dma_start3A_12 = arith.constant 0 : i32
      %dma_start3A_13 = arith.constant 0 : i32
      %dma_start3A_14 = tpu.memref_slice %arg4[%dma_start3A_12, %dma_start3A_13] : memref<10000x128xf32, #tpu.memory_space<hbm>> -> memref<10000x128xf32, #tpu.memory_space<hbm>>
      tpu.enqueue_indirect_dma source(%dma_start3A_14 : memref<10000x128xf32, #tpu.memory_space<hbm>>) target(%arg9 : memref<128x128xf32, #tpu.memory_space<vmem>>) offsets(%dma_start3A_11 : memref<128xi32, #tpu.memory_space<vmem>>) semaphore(%arg11 : memref<!tpu.dma_semaphore, #tpu.memory_space<semaphore_mem>>)
      %dma_wait3A = arith.constant 0 : i32
      %dma_wait3A_15 = tpu.memref_slice %arg7[%scan3A_9, %dma_wait3A] : memref<79x128xi32, #tpu.memory_space<vmem>> -> memref<1x128xi32, #tpu.memory_space<vmem>>
      %dma_wait3A_16 = tpu.memref_squeeze %dma_wait3A_15 : memref<1x128xi32, #tpu.memory_space<vmem>> -> memref<128xi32, #tpu.memory_space<vmem>>
      %dma_wait3A_17 = arith.constant 0 : i32
      %dma_wait3A_18 = arith.constant 0 : i32
      %dma_wait3A_19 = tpu.memref_slice %arg4[%dma_wait3A_17, %dma_wait3A_18] : memref<10000x128xf32, #tpu.memory_space<hbm>> -> memref<10000x128xf32, #tpu.memory_space<hbm>>
      tpu.wait_indirect_dma semaphore(%arg11 : memref<!tpu.dma_semaphore, #tpu.memory_space<semaphore_mem>>) src(%dma_wait3A_19 : memref<10000x128xf32, #tpu.memory_space<hbm>>) dst(%arg9 : memref<128x128xf32, #tpu.memory_space<vmem>>)
    }
    %scan3A_7 = arith.constant 79 : i32
    %barrier3A_8 = arith.constant 0 : index
    tpu.barrier barrier_id(%barrier3A_8)
    "tpu.region"() ({
      %run_scoped3A = tpu.sem_alloc : memref<!tpu.dma_semaphore, #tpu.memory_space<semaphore_mem>>
      %dma_start3A = arith.constant 0 : i32
      %dma_start3A_9 = tpu.memref_slice %arg6[%arg0, %mul3A_2, %dma_start3A] : memref<2x10112x128xf32, #tpu.memory_space<hbm>> -> memref<1x632x128xf32, #tpu.memory_space<hbm>>
      %dma_start3A_10 = tpu.memref_squeeze %dma_start3A_9 : memref<1x632x128xf32, #tpu.memory_space<hbm>> -> memref<632x128xf32, #tpu.memory_space<hbm>>
      %dma_start3A_11 = arith.constant 0 : i32
      %dma_start3A_12 = tpu.memref_slice %arg10[%mul3A_2, %dma_start3A_11] : memref<10112x128xf32, #tpu.memory_space<vmem_shared>> -> memref<632x128xf32, #tpu.memory_space<vmem_shared>>
      tpu.enqueue_dma source(%dma_start3A_12 : memref<632x128xf32, #tpu.memory_space<vmem_shared>>) target(%dma_start3A_10 : memref<632x128xf32, #tpu.memory_space<hbm>>) target_semaphore(%run_scoped3A : memref<!tpu.dma_semaphore, #tpu.memory_space<semaphore_mem>>)
      %dma_wait3A = arith.constant 0 : i32
      %dma_wait3A_13 = tpu.memref_slice %arg6[%arg0, %mul3A_2, %dma_wait3A] : memref<2x10112x128xf32, #tpu.memory_space<hbm>> -> memref<1x632x128xf32, #tpu.memory_space<hbm>>
      %dma_wait3A_14 = tpu.memref_squeeze %dma_wait3A_13 : memref<1x632x128xf32, #tpu.memory_space<hbm>> -> memref<632x128xf32, #tpu.memory_space<hbm>>
      %dma_wait3A_15 = arith.constant 0 : i32
      %dma_wait3A_16 = tpu.memref_slice %arg10[%mul3A_2, %dma_wait3A_15] : memref<10112x128xf32, #tpu.memory_space<vmem_shared>> -> memref<632x128xf32, #tpu.memory_space<vmem_shared>>
      tpu.wait_dma2 semaphore(%run_scoped3A : memref<!tpu.dma_semaphore, #tpu.memory_space<semaphore_mem>>) src(%dma_wait3A_16 : memref<632x128xf32, #tpu.memory_space<vmem_shared>>) dst(%dma_wait3A_14 : memref<632x128xf32, #tpu.memory_space<hbm>>)
      tpu.yield
    }) : () -> ()
    return
  }
}

#map = affine_map<(d0, d1) -> (0, 0, 0)>
#map1 = affine_map<(d0, d1) -> (0, 0)>
module attributes {stable_mosaic.version = 14 : i64} {
  func.func @_sc_body(%arg0: i32, %arg1: i32, %arg2: memref<32x79x128xi32, #tpu.memory_space<hbm>>, %arg3: memref<32x79x128xi32, #tpu.memory_space<hbm>>, %arg4: memref<10000x128xf32, #tpu.memory_space<hbm>>, %arg5: memref<632x128xf32, #tpu.memory_space<hbm>>, %arg6: memref<2x10112x128xf32, #tpu.memory_space<hbm>>, %arg7: memref<79x128xi32, #tpu.memory_space<vmem>>, %arg8: memref<79x128xi32, #tpu.memory_space<vmem>>, %arg9: memref<128x128xf32, #tpu.memory_space<vmem>>, %arg10: memref<10112x128xf32, #tpu.memory_space<vmem_shared>>, %arg11: memref<!tpu.dma_semaphore, #tpu.memory_space<semaphore_mem>>) attributes {dimension_semantics = [#tpu.dimension_semantics<core_parallel>, #tpu.dimension_semantics<subcore_parallel>], iteration_bounds = array<i64: 2, 16>, scalar_prefetch = 0 : i64, scratch_operands = 5 : i64, tpu.core_type = #tpu.core_type<sc_vector_subcore>, window_params = [{transform_indices = #map}, {transform_indices = #map}, {transform_indices = #map1}, {transform_indices = #map1}, {transform_indices = #map}]} {
    %mul3A = arith.constant 2 : i32
    %mul3A_0 = arith.muli %arg1, %mul3A : i32
    %add3A = arith.addi %mul3A_0, %arg0 : i32
    %mul3A_1 = arith.constant 632 : i32
    %mul3A_2 = arith.muli %arg1, %mul3A_1 : i32
    "tpu.region"() ({
      %run_scoped3A = tpu.sem_alloc : memref<!tpu.dma_semaphore, #tpu.memory_space<semaphore_mem>>
      %dma_start3A = arith.constant 0 : i32
      %dma_start3A_9 = tpu.memref_slice %arg10[%mul3A_2, %dma_start3A] : memref<10112x128xf32, #tpu.memory_space<vmem_shared>> -> memref<632x128xf32, #tpu.memory_space<vmem_shared>>
      tpu.enqueue_dma source(%arg5 : memref<632x128xf32, #tpu.memory_space<hbm>>) target(%dma_start3A_9 : memref<632x128xf32, #tpu.memory_space<vmem_shared>>) target_semaphore(%run_scoped3A : memref<!tpu.dma_semaphore, #tpu.memory_space<semaphore_mem>>)
      %dma_wait3A = arith.constant 0 : i32
      %dma_wait3A_10 = tpu.memref_slice %arg10[%mul3A_2, %dma_wait3A] : memref<10112x128xf32, #tpu.memory_space<vmem_shared>> -> memref<632x128xf32, #tpu.memory_space<vmem_shared>>
      tpu.wait_dma2 semaphore(%run_scoped3A : memref<!tpu.dma_semaphore, #tpu.memory_space<semaphore_mem>>) src(%arg5 : memref<632x128xf32, #tpu.memory_space<hbm>>) dst(%dma_wait3A_10 : memref<632x128xf32, #tpu.memory_space<vmem_shared>>)
      tpu.yield
    }) : () -> ()
    "tpu.region"() ({
      %run_scoped3A = tpu.sem_alloc : memref<!tpu.dma_semaphore, #tpu.memory_space<semaphore_mem>>
      %dma_start3A = arith.constant 0 : i32
      %dma_start3A_9 = arith.constant 0 : i32
      %dma_start3A_10 = tpu.memref_slice %arg2[%add3A, %dma_start3A, %dma_start3A_9] : memref<32x79x128xi32, #tpu.memory_space<hbm>> -> memref<1x79x128xi32, #tpu.memory_space<hbm>>
      %dma_start3A_11 = tpu.memref_squeeze %dma_start3A_10 : memref<1x79x128xi32, #tpu.memory_space<hbm>> -> memref<79x128xi32, #tpu.memory_space<hbm>>
      %dma_start3A_12 = arith.constant 0 : i32
      %dma_start3A_13 = arith.constant 0 : i32
      %dma_start3A_14 = tpu.memref_slice %arg2[%add3A, %dma_start3A_12, %dma_start3A_13] : memref<32x79x128xi32, #tpu.memory_space<hbm>> -> memref<1x79x128xi32, #tpu.memory_space<hbm>>
      %dma_start3A_15 = tpu.memref_squeeze %dma_start3A_14 : memref<1x79x128xi32, #tpu.memory_space<hbm>> -> memref<79x128xi32, #tpu.memory_space<hbm>>
      tpu.enqueue_dma source(%dma_start3A_15 : memref<79x128xi32, #tpu.memory_space<hbm>>) target(%arg7 : memref<79x128xi32, #tpu.memory_space<vmem>>) target_semaphore(%run_scoped3A : memref<!tpu.dma_semaphore, #tpu.memory_space<semaphore_mem>>)
      %dma_wait3A = arith.constant 0 : i32
      %dma_wait3A_16 = arith.constant 0 : i32
      %dma_wait3A_17 = tpu.memref_slice %arg2[%add3A, %dma_wait3A, %dma_wait3A_16] : memref<32x79x128xi32, #tpu.memory_space<hbm>> -> memref<1x79x128xi32, #tpu.memory_space<hbm>>
      %dma_wait3A_18 = tpu.memref_squeeze %dma_wait3A_17 : memref<1x79x128xi32, #tpu.memory_space<hbm>> -> memref<79x128xi32, #tpu.memory_space<hbm>>
      %dma_wait3A_19 = arith.constant 0 : i32
      %dma_wait3A_20 = arith.constant 0 : i32
      %dma_wait3A_21 = tpu.memref_slice %arg2[%add3A, %dma_wait3A_19, %dma_wait3A_20] : memref<32x79x128xi32, #tpu.memory_space<hbm>> -> memref<1x79x128xi32, #tpu.memory_space<hbm>>
      %dma_wait3A_22 = tpu.memref_squeeze %dma_wait3A_21 : memref<1x79x128xi32, #tpu.memory_space<hbm>> -> memref<79x128xi32, #tpu.memory_space<hbm>>
      tpu.wait_dma2 semaphore(%run_scoped3A : memref<!tpu.dma_semaphore, #tpu.memory_space<semaphore_mem>>) src(%dma_wait3A_22 : memref<79x128xi32, #tpu.memory_space<hbm>>) dst(%arg7 : memref<79x128xi32, #tpu.memory_space<vmem>>)
      tpu.yield
    }) : () -> ()
    "tpu.region"() ({
      %run_scoped3A = tpu.sem_alloc : memref<!tpu.dma_semaphore, #tpu.memory_space<semaphore_mem>>
      %dma_start3A = arith.constant 0 : i32
      %dma_start3A_9 = arith.constant 0 : i32
      %dma_start3A_10 = tpu.memref_slice %arg3[%add3A, %dma_start3A, %dma_start3A_9] : memref<32x79x128xi32, #tpu.memory_space<hbm>> -> memref<1x79x128xi32, #tpu.memory_space<hbm>>
      %dma_start3A_11 = tpu.memref_squeeze %dma_start3A_10 : memref<1x79x128xi32, #tpu.memory_space<hbm>> -> memref<79x128xi32, #tpu.memory_space<hbm>>
      %dma_start3A_12 = arith.constant 0 : i32
      %dma_start3A_13 = arith.constant 0 : i32
      %dma_start3A_14 = tpu.memref_slice %arg3[%add3A, %dma_start3A_12, %dma_start3A_13] : memref<32x79x128xi32, #tpu.memory_space<hbm>> -> memref<1x79x128xi32, #tpu.memory_space<hbm>>
      %dma_start3A_15 = tpu.memref_squeeze %dma_start3A_14 : memref<1x79x128xi32, #tpu.memory_space<hbm>> -> memref<79x128xi32, #tpu.memory_space<hbm>>
      tpu.enqueue_dma source(%dma_start3A_15 : memref<79x128xi32, #tpu.memory_space<hbm>>) target(%arg8 : memref<79x128xi32, #tpu.memory_space<vmem>>) target_semaphore(%run_scoped3A : memref<!tpu.dma_semaphore, #tpu.memory_space<semaphore_mem>>)
      %dma_wait3A = arith.constant 0 : i32
      %dma_wait3A_16 = arith.constant 0 : i32
      %dma_wait3A_17 = tpu.memref_slice %arg3[%add3A, %dma_wait3A, %dma_wait3A_16] : memref<32x79x128xi32, #tpu.memory_space<hbm>> -> memref<1x79x128xi32, #tpu.memory_space<hbm>>
      %dma_wait3A_18 = tpu.memref_squeeze %dma_wait3A_17 : memref<1x79x128xi32, #tpu.memory_space<hbm>> -> memref<79x128xi32, #tpu.memory_space<hbm>>
      %dma_wait3A_19 = arith.constant 0 : i32
      %dma_wait3A_20 = arith.constant 0 : i32
      %dma_wait3A_21 = tpu.memref_slice %arg3[%add3A, %dma_wait3A_19, %dma_wait3A_20] : memref<32x79x128xi32, #tpu.memory_space<hbm>> -> memref<1x79x128xi32, #tpu.memory_space<hbm>>
      %dma_wait3A_22 = tpu.memref_squeeze %dma_wait3A_21 : memref<1x79x128xi32, #tpu.memory_space<hbm>> -> memref<79x128xi32, #tpu.memory_space<hbm>>
      tpu.wait_dma2 semaphore(%run_scoped3A : memref<!tpu.dma_semaphore, #tpu.memory_space<semaphore_mem>>) src(%dma_wait3A_22 : memref<79x128xi32, #tpu.memory_space<hbm>>) dst(%arg8 : memref<79x128xi32, #tpu.memory_space<vmem>>)
      tpu.yield
    }) : () -> ()
    %barrier3A = arith.constant 0 : index
    tpu.barrier barrier_id(%barrier3A)
    %scan3A = arith.constant 0 : i32
    %scan3A_3 = arith.constant 0 : i32
    %scan3A_4 = arith.constant 79 : i32
    %scan3A_5 = arith.addi %scan3A_3, %scan3A_4 : i32
    %scan3A_6 = arith.constant 1 : i32
    scf.for %scan3A_9 = %scan3A_3 to %scan3A_5 step %scan3A_6  : i32 {
      %dma_start3A = arith.constant 0 : i32
      %dma_start3A_10 = tpu.memref_slice %arg7[%scan3A_9, %dma_start3A] : memref<79x128xi32, #tpu.memory_space<vmem>> -> memref<1x128xi32, #tpu.memory_space<vmem>>
      %dma_start3A_11 = tpu.memref_squeeze %dma_start3A_10 : memref<1x128xi32, #tpu.memory_space<vmem>> -> memref<128xi32, #tpu.memory_space<vmem>>
      %dma_start3A_12 = arith.constant 0 : i32
      %dma_start3A_13 = arith.constant 0 : i32
      %dma_start3A_14 = tpu.memref_slice %arg4[%dma_start3A_12, %dma_start3A_13] : memref<10000x128xf32, #tpu.memory_space<hbm>> -> memref<10000x128xf32, #tpu.memory_space<hbm>>
      tpu.enqueue_indirect_dma source(%dma_start3A_14 : memref<10000x128xf32, #tpu.memory_space<hbm>>) target(%arg9 : memref<128x128xf32, #tpu.memory_space<vmem>>) offsets(%dma_start3A_11 : memref<128xi32, #tpu.memory_space<vmem>>) semaphore(%arg11 : memref<!tpu.dma_semaphore, #tpu.memory_space<semaphore_mem>>)
      %dma_wait3A = arith.constant 0 : i32
      %dma_wait3A_15 = tpu.memref_slice %arg7[%scan3A_9, %dma_wait3A] : memref<79x128xi32, #tpu.memory_space<vmem>> -> memref<1x128xi32, #tpu.memory_space<vmem>>
      %dma_wait3A_16 = tpu.memref_squeeze %dma_wait3A_15 : memref<1x128xi32, #tpu.memory_space<vmem>> -> memref<128xi32, #tpu.memory_space<vmem>>
      %dma_wait3A_17 = arith.constant 0 : i32
      %dma_wait3A_18 = arith.constant 0 : i32
      %dma_wait3A_19 = tpu.memref_slice %arg4[%dma_wait3A_17, %dma_wait3A_18] : memref<10000x128xf32, #tpu.memory_space<hbm>> -> memref<10000x128xf32, #tpu.memory_space<hbm>>
      tpu.wait_indirect_dma semaphore(%arg11 : memref<!tpu.dma_semaphore, #tpu.memory_space<semaphore_mem>>) src(%dma_wait3A_19 : memref<10000x128xf32, #tpu.memory_space<hbm>>) dst(%arg9 : memref<128x128xf32, #tpu.memory_space<vmem>>)
    }
    %scan3A_7 = arith.constant 79 : i32
    %barrier3A_8 = arith.constant 0 : index
    tpu.barrier barrier_id(%barrier3A_8)
    "tpu.region"() ({
      %run_scoped3A = tpu.sem_alloc : memref<!tpu.dma_semaphore, #tpu.memory_space<semaphore_mem>>
      %dma_start3A = arith.constant 0 : i32
      %dma_start3A_9 = tpu.memref_slice %arg6[%arg0, %mul3A_2, %dma_start3A] : memref<2x10112x128xf32, #tpu.memory_space<hbm>> -> memref<1x632x128xf32, #tpu.memory_space<hbm>>
      %dma_start3A_10 = tpu.memref_squeeze %dma_start3A_9 : memref<1x632x128xf32, #tpu.memory_space<hbm>> -> memref<632x128xf32, #tpu.memory_space<hbm>>
      %dma_start3A_11 = arith.constant 0 : i32
      %dma_start3A_12 = tpu.memref_slice %arg10[%mul3A_2, %dma_start3A_11] : memref<10112x128xf32, #tpu.memory_space<vmem_shared>> -> memref<632x128xf32, #tpu.memory_space<vmem_shared>>
      tpu.enqueue_dma source(%dma_start3A_12 : memref<632x128xf32, #tpu.memory_space<vmem_shared>>) target(%dma_start3A_10 : memref<632x128xf32, #tpu.memory_space<hbm>>) target_semaphore(%run_scoped3A : memref<!tpu.dma_semaphore, #tpu.memory_space<semaphore_mem>>)
      %dma_wait3A = arith.constant 0 : i32
      %dma_wait3A_13 = tpu.memref_slice %arg6[%arg0, %mul3A_2, %dma_wait3A] : memref<2x10112x128xf32, #tpu.memory_space<hbm>> -> memref<1x632x128xf32, #tpu.memory_space<hbm>>
      %dma_wait3A_14 = tpu.memref_squeeze %dma_wait3A_13 : memref<1x632x128xf32, #tpu.memory_space<hbm>> -> memref<632x128xf32, #tpu.memory_space<hbm>>
      %dma_wait3A_15 = arith.constant 0 : i32
      %dma_wait3A_16 = tpu.memref_slice %arg10[%mul3A_2, %dma_wait3A_15] : memref<10112x128xf32, #tpu.memory_space<vmem_shared>> -> memref<632x128xf32, #tpu.memory_space<vmem_shared>>
      tpu.wait_dma2 semaphore(%run_scoped3A : memref<!tpu.dma_semaphore, #tpu.memory_space<semaphore_mem>>) src(%dma_wait3A_16 : memref<632x128xf32, #tpu.memory_space<vmem_shared>>) dst(%dma_wait3A_14 : memref<632x128xf32, #tpu.memory_space<hbm>>)
      tpu.yield
    }) : () -> ()
    return
  }
}

#map = affine_map<(d0, d1) -> (0, 0, 0)>
#map1 = affine_map<(d0, d1) -> (0, 0)>
module attributes {stable_mosaic.version = 14 : i64} {
  func.func @_sc_body(%arg0: i32, %arg1: i32, %arg2: memref<32x79x128xi32, #tpu.memory_space<hbm>>, %arg3: memref<32x79x128xi32, #tpu.memory_space<hbm>>, %arg4: memref<10000x128xf32, #tpu.memory_space<hbm>>, %arg5: memref<632x128xf32, #tpu.memory_space<hbm>>, %arg6: memref<2x10112x128xf32, #tpu.memory_space<hbm>>, %arg7: memref<79x128xi32, #tpu.memory_space<vmem>>, %arg8: memref<79x128xi32, #tpu.memory_space<vmem>>, %arg9: memref<128x128xf32, #tpu.memory_space<vmem>>, %arg10: memref<10112x128xf32, #tpu.memory_space<vmem_shared>>, %arg11: memref<!tpu.dma_semaphore, #tpu.memory_space<semaphore_mem>>) attributes {dimension_semantics = [#tpu.dimension_semantics<core_parallel>, #tpu.dimension_semantics<subcore_parallel>], iteration_bounds = array<i64: 2, 16>, scalar_prefetch = 0 : i64, scratch_operands = 5 : i64, tpu.core_type = #tpu.core_type<sc_vector_subcore>, window_params = [{transform_indices = #map}, {transform_indices = #map}, {transform_indices = #map1}, {transform_indices = #map1}, {transform_indices = #map}]} {
    %mul3A = arith.constant 2 : i32
    %mul3A_0 = arith.muli %arg1, %mul3A : i32
    %add3A = arith.addi %mul3A_0, %arg0 : i32
    %mul3A_1 = arith.constant 632 : i32
    %mul3A_2 = arith.muli %arg1, %mul3A_1 : i32
    "tpu.region"() ({
      %run_scoped3A = tpu.sem_alloc : memref<!tpu.dma_semaphore, #tpu.memory_space<semaphore_mem>>
      %dma_start3A = arith.constant 0 : i32
      %dma_start3A_9 = tpu.memref_slice %arg10[%mul3A_2, %dma_start3A] : memref<10112x128xf32, #tpu.memory_space<vmem_shared>> -> memref<632x128xf32, #tpu.memory_space<vmem_shared>>
      tpu.enqueue_dma source(%arg5 : memref<632x128xf32, #tpu.memory_space<hbm>>) target(%dma_start3A_9 : memref<632x128xf32, #tpu.memory_space<vmem_shared>>) target_semaphore(%run_scoped3A : memref<!tpu.dma_semaphore, #tpu.memory_space<semaphore_mem>>)
      %dma_wait3A = arith.constant 0 : i32
      %dma_wait3A_10 = tpu.memref_slice %arg10[%mul3A_2, %dma_wait3A] : memref<10112x128xf32, #tpu.memory_space<vmem_shared>> -> memref<632x128xf32, #tpu.memory_space<vmem_shared>>
      tpu.wait_dma2 semaphore(%run_scoped3A : memref<!tpu.dma_semaphore, #tpu.memory_space<semaphore_mem>>) src(%arg5 : memref<632x128xf32, #tpu.memory_space<hbm>>) dst(%dma_wait3A_10 : memref<632x128xf32, #tpu.memory_space<vmem_shared>>)
      tpu.yield
    }) : () -> ()
    "tpu.region"() ({
      %run_scoped3A = tpu.sem_alloc : memref<!tpu.dma_semaphore, #tpu.memory_space<semaphore_mem>>
      %dma_start3A = arith.constant 0 : i32
      %dma_start3A_9 = arith.constant 0 : i32
      %dma_start3A_10 = tpu.memref_slice %arg2[%add3A, %dma_start3A, %dma_start3A_9] : memref<32x79x128xi32, #tpu.memory_space<hbm>> -> memref<1x79x128xi32, #tpu.memory_space<hbm>>
      %dma_start3A_11 = tpu.memref_squeeze %dma_start3A_10 : memref<1x79x128xi32, #tpu.memory_space<hbm>> -> memref<79x128xi32, #tpu.memory_space<hbm>>
      %dma_start3A_12 = arith.constant 0 : i32
      %dma_start3A_13 = arith.constant 0 : i32
      %dma_start3A_14 = tpu.memref_slice %arg2[%add3A, %dma_start3A_12, %dma_start3A_13] : memref<32x79x128xi32, #tpu.memory_space<hbm>> -> memref<1x79x128xi32, #tpu.memory_space<hbm>>
      %dma_start3A_15 = tpu.memref_squeeze %dma_start3A_14 : memref<1x79x128xi32, #tpu.memory_space<hbm>> -> memref<79x128xi32, #tpu.memory_space<hbm>>
      tpu.enqueue_dma source(%dma_start3A_15 : memref<79x128xi32, #tpu.memory_space<hbm>>) target(%arg7 : memref<79x128xi32, #tpu.memory_space<vmem>>) target_semaphore(%run_scoped3A : memref<!tpu.dma_semaphore, #tpu.memory_space<semaphore_mem>>)
      %dma_wait3A = arith.constant 0 : i32
      %dma_wait3A_16 = arith.constant 0 : i32
      %dma_wait3A_17 = tpu.memref_slice %arg2[%add3A, %dma_wait3A, %dma_wait3A_16] : memref<32x79x128xi32, #tpu.memory_space<hbm>> -> memref<1x79x128xi32, #tpu.memory_space<hbm>>
      %dma_wait3A_18 = tpu.memref_squeeze %dma_wait3A_17 : memref<1x79x128xi32, #tpu.memory_space<hbm>> -> memref<79x128xi32, #tpu.memory_space<hbm>>
      %dma_wait3A_19 = arith.constant 0 : i32
      %dma_wait3A_20 = arith.constant 0 : i32
      %dma_wait3A_21 = tpu.memref_slice %arg2[%add3A, %dma_wait3A_19, %dma_wait3A_20] : memref<32x79x128xi32, #tpu.memory_space<hbm>> -> memref<1x79x128xi32, #tpu.memory_space<hbm>>
      %dma_wait3A_22 = tpu.memref_squeeze %dma_wait3A_21 : memref<1x79x128xi32, #tpu.memory_space<hbm>> -> memref<79x128xi32, #tpu.memory_space<hbm>>
      tpu.wait_dma2 semaphore(%run_scoped3A : memref<!tpu.dma_semaphore, #tpu.memory_space<semaphore_mem>>) src(%dma_wait3A_22 : memref<79x128xi32, #tpu.memory_space<hbm>>) dst(%arg7 : memref<79x128xi32, #tpu.memory_space<vmem>>)
      tpu.yield
    }) : () -> ()
    "tpu.region"() ({
      %run_scoped3A = tpu.sem_alloc : memref<!tpu.dma_semaphore, #tpu.memory_space<semaphore_mem>>
      %dma_start3A = arith.constant 0 : i32
      %dma_start3A_9 = arith.constant 0 : i32
      %dma_start3A_10 = tpu.memref_slice %arg3[%add3A, %dma_start3A, %dma_start3A_9] : memref<32x79x128xi32, #tpu.memory_space<hbm>> -> memref<1x79x128xi32, #tpu.memory_space<hbm>>
      %dma_start3A_11 = tpu.memref_squeeze %dma_start3A_10 : memref<1x79x128xi32, #tpu.memory_space<hbm>> -> memref<79x128xi32, #tpu.memory_space<hbm>>
      %dma_start3A_12 = arith.constant 0 : i32
      %dma_start3A_13 = arith.constant 0 : i32
      %dma_start3A_14 = tpu.memref_slice %arg3[%add3A, %dma_start3A_12, %dma_start3A_13] : memref<32x79x128xi32, #tpu.memory_space<hbm>> -> memref<1x79x128xi32, #tpu.memory_space<hbm>>
      %dma_start3A_15 = tpu.memref_squeeze %dma_start3A_14 : memref<1x79x128xi32, #tpu.memory_space<hbm>> -> memref<79x128xi32, #tpu.memory_space<hbm>>
      tpu.enqueue_dma source(%dma_start3A_15 : memref<79x128xi32, #tpu.memory_space<hbm>>) target(%arg8 : memref<79x128xi32, #tpu.memory_space<vmem>>) target_semaphore(%run_scoped3A : memref<!tpu.dma_semaphore, #tpu.memory_space<semaphore_mem>>)
      %dma_wait3A = arith.constant 0 : i32
      %dma_wait3A_16 = arith.constant 0 : i32
      %dma_wait3A_17 = tpu.memref_slice %arg3[%add3A, %dma_wait3A, %dma_wait3A_16] : memref<32x79x128xi32, #tpu.memory_space<hbm>> -> memref<1x79x128xi32, #tpu.memory_space<hbm>>
      %dma_wait3A_18 = tpu.memref_squeeze %dma_wait3A_17 : memref<1x79x128xi32, #tpu.memory_space<hbm>> -> memref<79x128xi32, #tpu.memory_space<hbm>>
      %dma_wait3A_19 = arith.constant 0 : i32
      %dma_wait3A_20 = arith.constant 0 : i32
      %dma_wait3A_21 = tpu.memref_slice %arg3[%add3A, %dma_wait3A_19, %dma_wait3A_20] : memref<32x79x128xi32, #tpu.memory_space<hbm>> -> memref<1x79x128xi32, #tpu.memory_space<hbm>>
      %dma_wait3A_22 = tpu.memref_squeeze %dma_wait3A_21 : memref<1x79x128xi32, #tpu.memory_space<hbm>> -> memref<79x128xi32, #tpu.memory_space<hbm>>
      tpu.wait_dma2 semaphore(%run_scoped3A : memref<!tpu.dma_semaphore, #tpu.memory_space<semaphore_mem>>) src(%dma_wait3A_22 : memref<79x128xi32, #tpu.memory_space<hbm>>) dst(%arg8 : memref<79x128xi32, #tpu.memory_space<vmem>>)
      tpu.yield
    }) : () -> ()
    %barrier3A = arith.constant 0 : index
    tpu.barrier barrier_id(%barrier3A)
    %scan3A = arith.constant 0 : i32
    %scan3A_3 = arith.constant 0 : i32
    %scan3A_4 = arith.constant 79 : i32
    %scan3A_5 = arith.addi %scan3A_3, %scan3A_4 : i32
    %scan3A_6 = arith.constant 1 : i32
    scf.for %scan3A_9 = %scan3A_3 to %scan3A_5 step %scan3A_6  : i32 {
      %dma_start3A = arith.constant 0 : i32
      %dma_start3A_10 = tpu.memref_slice %arg7[%scan3A_9, %dma_start3A] : memref<79x128xi32, #tpu.memory_space<vmem>> -> memref<1x128xi32, #tpu.memory_space<vmem>>
      %dma_start3A_11 = tpu.memref_squeeze %dma_start3A_10 : memref<1x128xi32, #tpu.memory_space<vmem>> -> memref<128xi32, #tpu.memory_space<vmem>>
      %dma_start3A_12 = arith.constant 0 : i32
      %dma_start3A_13 = arith.constant 0 : i32
      %dma_start3A_14 = tpu.memref_slice %arg4[%dma_start3A_12, %dma_start3A_13] : memref<10000x128xf32, #tpu.memory_space<hbm>> -> memref<10000x128xf32, #tpu.memory_space<hbm>>
      tpu.enqueue_indirect_dma source(%dma_start3A_14 : memref<10000x128xf32, #tpu.memory_space<hbm>>) target(%arg9 : memref<128x128xf32, #tpu.memory_space<vmem>>) offsets(%dma_start3A_11 : memref<128xi32, #tpu.memory_space<vmem>>) semaphore(%arg11 : memref<!tpu.dma_semaphore, #tpu.memory_space<semaphore_mem>>)
      %dma_wait3A = arith.constant 0 : i32
      %dma_wait3A_15 = tpu.memref_slice %arg7[%scan3A_9, %dma_wait3A] : memref<79x128xi32, #tpu.memory_space<vmem>> -> memref<1x128xi32, #tpu.memory_space<vmem>>
      %dma_wait3A_16 = tpu.memref_squeeze %dma_wait3A_15 : memref<1x128xi32, #tpu.memory_space<vmem>> -> memref<128xi32, #tpu.memory_space<vmem>>
      %dma_wait3A_17 = arith.constant 0 : i32
      %dma_wait3A_18 = arith.constant 0 : i32
      %dma_wait3A_19 = tpu.memref_slice %arg4[%dma_wait3A_17, %dma_wait3A_18] : memref<10000x128xf32, #tpu.memory_space<hbm>> -> memref<10000x128xf32, #tpu.memory_space<hbm>>
      tpu.wait_indirect_dma semaphore(%arg11 : memref<!tpu.dma_semaphore, #tpu.memory_space<semaphore_mem>>) src(%dma_wait3A_19 : memref<10000x128xf32, #tpu.memory_space<hbm>>) dst(%arg9 : memref<128x128xf32, #tpu.memory_space<vmem>>)
    }
    %scan3A_7 = arith.constant 79 : i32
    %barrier3A_8 = arith.constant 0 : index
    tpu.barrier barrier_id(%barrier3A_8)
    "tpu.region"() ({
      %run_scoped3A = tpu.sem_alloc : memref<!tpu.dma_semaphore, #tpu.memory_space<semaphore_mem>>
      %dma_start3A = arith.constant 0 : i32
      %dma_start3A_9 = tpu.memref_slice %arg6[%arg0, %mul3A_2, %dma_start3A] : memref<2x10112x128xf32, #tpu.memory_space<hbm>> -> memref<1x632x128xf32, #tpu.memory_space<hbm>>
      %dma_start3A_10 = tpu.memref_squeeze %dma_start3A_9 : memref<1x632x128xf32, #tpu.memory_space<hbm>> -> memref<632x128xf32, #tpu.memory_space<hbm>>
      %dma_start3A_11 = arith.constant 0 : i32
      %dma_start3A_12 = tpu.memref_slice %arg10[%mul3A_2, %dma_start3A_11] : memref<10112x128xf32, #tpu.memory_space<vmem_shared>> -> memref<632x128xf32, #tpu.memory_space<vmem_shared>>
      tpu.enqueue_dma source(%dma_start3A_12 : memref<632x128xf32, #tpu.memory_space<vmem_shared>>) target(%dma_start3A_10 : memref<632x128xf32, #tpu.memory_space<hbm>>) target_semaphore(%run_scoped3A : memref<!tpu.dma_semaphore, #tpu.memory_space<semaphore_mem>>)
      %dma_wait3A = arith.constant 0 : i32
      %dma_wait3A_13 = tpu.memref_slice %arg6[%arg0, %mul3A_2, %dma_wait3A] : memref<2x10112x128xf32, #tpu.memory_space<hbm>> -> memref<1x632x128xf32, #tpu.memory_space<hbm>>
      %dma_wait3A_14 = tpu.memref_squeeze %dma_wait3A_13 : memref<1x632x128xf32, #tpu.memory_space<hbm>> -> memref<632x128xf32, #tpu.memory_space<hbm>>
      %dma_wait3A_15 = arith.constant 0 : i32
      %dma_wait3A_16 = tpu.memref_slice %arg10[%mul3A_2, %dma_wait3A_15] : memref<10112x128xf32, #tpu.memory_space<vmem_shared>> -> memref<632x128xf32, #tpu.memory_space<vmem_shared>>
      tpu.wait_dma2 semaphore(%run_scoped3A : memref<!tpu.dma_semaphore, #tpu.memory_space<semaphore_mem>>) src(%dma_wait3A_16 : memref<632x128xf32, #tpu.memory_space<vmem_shared>>) dst(%dma_wait3A_14 : memref<632x128xf32, #tpu.memory_space<hbm>>)
      tpu.yield
    }) : () -> ()
    return
  }
}

#map = affine_map<(d0, d1) -> (0, 0, 0)>
#map1 = affine_map<(d0, d1) -> (0, 0)>
module attributes {stable_mosaic.version = 14 : i64} {
  func.func @_sc_body(%arg0: i32, %arg1: i32, %arg2: memref<32x79x128xi32, #tpu.memory_space<hbm>>, %arg3: memref<32x79x128xi32, #tpu.memory_space<hbm>>, %arg4: memref<10000x128xf32, #tpu.memory_space<hbm>>, %arg5: memref<632x128xf32, #tpu.memory_space<hbm>>, %arg6: memref<2x10112x128xf32, #tpu.memory_space<hbm>>, %arg7: memref<79x128xi32, #tpu.memory_space<vmem>>, %arg8: memref<79x128xi32, #tpu.memory_space<vmem>>, %arg9: memref<128x128xf32, #tpu.memory_space<vmem>>, %arg10: memref<10112x128xf32, #tpu.memory_space<vmem_shared>>, %arg11: memref<!tpu.dma_semaphore, #tpu.memory_space<semaphore_mem>>) attributes {dimension_semantics = [#tpu.dimension_semantics<core_parallel>, #tpu.dimension_semantics<subcore_parallel>], iteration_bounds = array<i64: 2, 16>, scalar_prefetch = 0 : i64, scratch_operands = 5 : i64, tpu.core_type = #tpu.core_type<sc_vector_subcore>, window_params = [{transform_indices = #map}, {transform_indices = #map}, {transform_indices = #map1}, {transform_indices = #map1}, {transform_indices = #map}]} {
    %mul3A = arith.constant 2 : i32
    %mul3A_0 = arith.muli %arg1, %mul3A : i32
    %add3A = arith.addi %mul3A_0, %arg0 : i32
    %mul3A_1 = arith.constant 632 : i32
    %mul3A_2 = arith.muli %arg1, %mul3A_1 : i32
    "tpu.region"() ({
      %run_scoped3A = tpu.sem_alloc : memref<!tpu.dma_semaphore, #tpu.memory_space<semaphore_mem>>
      %dma_start3A = arith.constant 0 : i32
      %dma_start3A_9 = tpu.memref_slice %arg10[%mul3A_2, %dma_start3A] : memref<10112x128xf32, #tpu.memory_space<vmem_shared>> -> memref<632x128xf32, #tpu.memory_space<vmem_shared>>
      tpu.enqueue_dma source(%arg5 : memref<632x128xf32, #tpu.memory_space<hbm>>) target(%dma_start3A_9 : memref<632x128xf32, #tpu.memory_space<vmem_shared>>) target_semaphore(%run_scoped3A : memref<!tpu.dma_semaphore, #tpu.memory_space<semaphore_mem>>)
      %dma_wait3A = arith.constant 0 : i32
      %dma_wait3A_10 = tpu.memref_slice %arg10[%mul3A_2, %dma_wait3A] : memref<10112x128xf32, #tpu.memory_space<vmem_shared>> -> memref<632x128xf32, #tpu.memory_space<vmem_shared>>
      tpu.wait_dma2 semaphore(%run_scoped3A : memref<!tpu.dma_semaphore, #tpu.memory_space<semaphore_mem>>) src(%arg5 : memref<632x128xf32, #tpu.memory_space<hbm>>) dst(%dma_wait3A_10 : memref<632x128xf32, #tpu.memory_space<vmem_shared>>)
      tpu.yield
    }) : () -> ()
    "tpu.region"() ({
      %run_scoped3A = tpu.sem_alloc : memref<!tpu.dma_semaphore, #tpu.memory_space<semaphore_mem>>
      %dma_start3A = arith.constant 0 : i32
      %dma_start3A_9 = arith.constant 0 : i32
      %dma_start3A_10 = tpu.memref_slice %arg2[%add3A, %dma_start3A, %dma_start3A_9] : memref<32x79x128xi32, #tpu.memory_space<hbm>> -> memref<1x79x128xi32, #tpu.memory_space<hbm>>
      %dma_start3A_11 = tpu.memref_squeeze %dma_start3A_10 : memref<1x79x128xi32, #tpu.memory_space<hbm>> -> memref<79x128xi32, #tpu.memory_space<hbm>>
      %dma_start3A_12 = arith.constant 0 : i32
      %dma_start3A_13 = arith.constant 0 : i32
      %dma_start3A_14 = tpu.memref_slice %arg2[%add3A, %dma_start3A_12, %dma_start3A_13] : memref<32x79x128xi32, #tpu.memory_space<hbm>> -> memref<1x79x128xi32, #tpu.memory_space<hbm>>
      %dma_start3A_15 = tpu.memref_squeeze %dma_start3A_14 : memref<1x79x128xi32, #tpu.memory_space<hbm>> -> memref<79x128xi32, #tpu.memory_space<hbm>>
      tpu.enqueue_dma source(%dma_start3A_15 : memref<79x128xi32, #tpu.memory_space<hbm>>) target(%arg7 : memref<79x128xi32, #tpu.memory_space<vmem>>) target_semaphore(%run_scoped3A : memref<!tpu.dma_semaphore, #tpu.memory_space<semaphore_mem>>)
      %dma_wait3A = arith.constant 0 : i32
      %dma_wait3A_16 = arith.constant 0 : i32
      %dma_wait3A_17 = tpu.memref_slice %arg2[%add3A, %dma_wait3A, %dma_wait3A_16] : memref<32x79x128xi32, #tpu.memory_space<hbm>> -> memref<1x79x128xi32, #tpu.memory_space<hbm>>
      %dma_wait3A_18 = tpu.memref_squeeze %dma_wait3A_17 : memref<1x79x128xi32, #tpu.memory_space<hbm>> -> memref<79x128xi32, #tpu.memory_space<hbm>>
      %dma_wait3A_19 = arith.constant 0 : i32
      %dma_wait3A_20 = arith.constant 0 : i32
      %dma_wait3A_21 = tpu.memref_slice %arg2[%add3A, %dma_wait3A_19, %dma_wait3A_20] : memref<32x79x128xi32, #tpu.memory_space<hbm>> -> memref<1x79x128xi32, #tpu.memory_space<hbm>>
      %dma_wait3A_22 = tpu.memref_squeeze %dma_wait3A_21 : memref<1x79x128xi32, #tpu.memory_space<hbm>> -> memref<79x128xi32, #tpu.memory_space<hbm>>
      tpu.wait_dma2 semaphore(%run_scoped3A : memref<!tpu.dma_semaphore, #tpu.memory_space<semaphore_mem>>) src(%dma_wait3A_22 : memref<79x128xi32, #tpu.memory_space<hbm>>) dst(%arg7 : memref<79x128xi32, #tpu.memory_space<vmem>>)
      tpu.yield
    }) : () -> ()
    "tpu.region"() ({
      %run_scoped3A = tpu.sem_alloc : memref<!tpu.dma_semaphore, #tpu.memory_space<semaphore_mem>>
      %dma_start3A = arith.constant 0 : i32
      %dma_start3A_9 = arith.constant 0 : i32
      %dma_start3A_10 = tpu.memref_slice %arg3[%add3A, %dma_start3A, %dma_start3A_9] : memref<32x79x128xi32, #tpu.memory_space<hbm>> -> memref<1x79x128xi32, #tpu.memory_space<hbm>>
      %dma_start3A_11 = tpu.memref_squeeze %dma_start3A_10 : memref<1x79x128xi32, #tpu.memory_space<hbm>> -> memref<79x128xi32, #tpu.memory_space<hbm>>
      %dma_start3A_12 = arith.constant 0 : i32
      %dma_start3A_13 = arith.constant 0 : i32
      %dma_start3A_14 = tpu.memref_slice %arg3[%add3A, %dma_start3A_12, %dma_start3A_13] : memref<32x79x128xi32, #tpu.memory_space<hbm>> -> memref<1x79x128xi32, #tpu.memory_space<hbm>>
      %dma_start3A_15 = tpu.memref_squeeze %dma_start3A_14 : memref<1x79x128xi32, #tpu.memory_space<hbm>> -> memref<79x128xi32, #tpu.memory_space<hbm>>
      tpu.enqueue_dma source(%dma_start3A_15 : memref<79x128xi32, #tpu.memory_space<hbm>>) target(%arg8 : memref<79x128xi32, #tpu.memory_space<vmem>>) target_semaphore(%run_scoped3A : memref<!tpu.dma_semaphore, #tpu.memory_space<semaphore_mem>>)
      %dma_wait3A = arith.constant 0 : i32
      %dma_wait3A_16 = arith.constant 0 : i32
      %dma_wait3A_17 = tpu.memref_slice %arg3[%add3A, %dma_wait3A, %dma_wait3A_16] : memref<32x79x128xi32, #tpu.memory_space<hbm>> -> memref<1x79x128xi32, #tpu.memory_space<hbm>>
      %dma_wait3A_18 = tpu.memref_squeeze %dma_wait3A_17 : memref<1x79x128xi32, #tpu.memory_space<hbm>> -> memref<79x128xi32, #tpu.memory_space<hbm>>
      %dma_wait3A_19 = arith.constant 0 : i32
      %dma_wait3A_20 = arith.constant 0 : i32
      %dma_wait3A_21 = tpu.memref_slice %arg3[%add3A, %dma_wait3A_19, %dma_wait3A_20] : memref<32x79x128xi32, #tpu.memory_space<hbm>> -> memref<1x79x128xi32, #tpu.memory_space<hbm>>
      %dma_wait3A_22 = tpu.memref_squeeze %dma_wait3A_21 : memref<1x79x128xi32, #tpu.memory_space<hbm>> -> memref<79x128xi32, #tpu.memory_space<hbm>>
      tpu.wait_dma2 semaphore(%run_scoped3A : memref<!tpu.dma_semaphore, #tpu.memory_space<semaphore_mem>>) src(%dma_wait3A_22 : memref<79x128xi32, #tpu.memory_space<hbm>>) dst(%arg8 : memref<79x128xi32, #tpu.memory_space<vmem>>)
      tpu.yield
    }) : () -> ()
    %barrier3A = arith.constant 0 : index
    tpu.barrier barrier_id(%barrier3A)
    %scan3A = arith.constant 0 : i32
    %scan3A_3 = arith.constant 0 : i32
    %scan3A_4 = arith.constant 79 : i32
    %scan3A_5 = arith.addi %scan3A_3, %scan3A_4 : i32
    %scan3A_6 = arith.constant 1 : i32
    scf.for %scan3A_9 = %scan3A_3 to %scan3A_5 step %scan3A_6  : i32 {
      %dma_start3A = arith.constant 0 : i32
      %dma_start3A_10 = tpu.memref_slice %arg7[%scan3A_9, %dma_start3A] : memref<79x128xi32, #tpu.memory_space<vmem>> -> memref<1x128xi32, #tpu.memory_space<vmem>>
      %dma_start3A_11 = tpu.memref_squeeze %dma_start3A_10 : memref<1x128xi32, #tpu.memory_space<vmem>> -> memref<128xi32, #tpu.memory_space<vmem>>
      %dma_start3A_12 = arith.constant 0 : i32
      %dma_start3A_13 = arith.constant 0 : i32
      %dma_start3A_14 = tpu.memref_slice %arg4[%dma_start3A_12, %dma_start3A_13] : memref<10000x128xf32, #tpu.memory_space<hbm>> -> memref<10000x128xf32, #tpu.memory_space<hbm>>
      tpu.enqueue_indirect_dma source(%dma_start3A_14 : memref<10000x128xf32, #tpu.memory_space<hbm>>) target(%arg9 : memref<128x128xf32, #tpu.memory_space<vmem>>) offsets(%dma_start3A_11 : memref<128xi32, #tpu.memory_space<vmem>>) semaphore(%arg11 : memref<!tpu.dma_semaphore, #tpu.memory_space<semaphore_mem>>)
      %dma_wait3A = arith.constant 0 : i32
      %dma_wait3A_15 = tpu.memref_slice %arg7[%scan3A_9, %dma_wait3A] : memref<79x128xi32, #tpu.memory_space<vmem>> -> memref<1x128xi32, #tpu.memory_space<vmem>>
      %dma_wait3A_16 = tpu.memref_squeeze %dma_wait3A_15 : memref<1x128xi32, #tpu.memory_space<vmem>> -> memref<128xi32, #tpu.memory_space<vmem>>
      %dma_wait3A_17 = arith.constant 0 : i32
      %dma_wait3A_18 = arith.constant 0 : i32
      %dma_wait3A_19 = tpu.memref_slice %arg4[%dma_wait3A_17, %dma_wait3A_18] : memref<10000x128xf32, #tpu.memory_space<hbm>> -> memref<10000x128xf32, #tpu.memory_space<hbm>>
      tpu.wait_indirect_dma semaphore(%arg11 : memref<!tpu.dma_semaphore, #tpu.memory_space<semaphore_mem>>) src(%dma_wait3A_19 : memref<10000x128xf32, #tpu.memory_space<hbm>>) dst(%arg9 : memref<128x128xf32, #tpu.memory_space<vmem>>)
    }
    %scan3A_7 = arith.constant 79 : i32
    %barrier3A_8 = arith.constant 0 : index
    tpu.barrier barrier_id(%barrier3A_8)
    "tpu.region"() ({
      %run_scoped3A = tpu.sem_alloc : memref<!tpu.dma_semaphore, #tpu.memory_space<semaphore_mem>>
      %dma_start3A = arith.constant 0 : i32
      %dma_start3A_9 = tpu.memref_slice %arg6[%arg0, %mul3A_2, %dma_start3A] : memref<2x10112x128xf32, #tpu.memory_space<hbm>> -> memref<1x632x128xf32, #tpu.memory_space<hbm>>
      %dma_start3A_10 = tpu.memref_squeeze %dma_start3A_9 : memref<1x632x128xf32, #tpu.memory_space<hbm>> -> memref<632x128xf32, #tpu.memory_space<hbm>>
      %dma_start3A_11 = arith.constant 0 : i32
      %dma_start3A_12 = tpu.memref_slice %arg10[%mul3A_2, %dma_start3A_11] : memref<10112x128xf32, #tpu.memory_space<vmem_shared>> -> memref<632x128xf32, #tpu.memory_space<vmem_shared>>
      tpu.enqueue_dma source(%dma_start3A_12 : memref<632x128xf32, #tpu.memory_space<vmem_shared>>) target(%dma_start3A_10 : memref<632x128xf32, #tpu.memory_space<hbm>>) target_semaphore(%run_scoped3A : memref<!tpu.dma_semaphore, #tpu.memory_space<semaphore_mem>>)
      %dma_wait3A = arith.constant 0 : i32
      %dma_wait3A_13 = tpu.memref_slice %arg6[%arg0, %mul3A_2, %dma_wait3A] : memref<2x10112x128xf32, #tpu.memory_space<hbm>> -> memref<1x632x128xf32, #tpu.memory_space<hbm>>
      %dma_wait3A_14 = tpu.memref_squeeze %dma_wait3A_13 : memref<1x632x128xf32, #tpu.memory_space<hbm>> -> memref<632x128xf32, #tpu.memory_space<hbm>>
      %dma_wait3A_15 = arith.constant 0 : i32
      %dma_wait3A_16 = tpu.memref_slice %arg10[%mul3A_2, %dma_wait3A_15] : memref<10112x128xf32, #tpu.memory_space<vmem_shared>> -> memref<632x128xf32, #tpu.memory_space<vmem_shared>>
      tpu.wait_dma2 semaphore(%run_scoped3A : memref<!tpu.dma_semaphore, #tpu.memory_space<semaphore_mem>>) src(%dma_wait3A_16 : memref<632x128xf32, #tpu.memory_space<vmem_shared>>) dst(%dma_wait3A_14 : memref<632x128xf32, #tpu.memory_space<hbm>>)
      tpu.yield
    }) : () -> ()
    return
  }
}

#map = affine_map<(d0, d1) -> (0, 0, 0)>
#map1 = affine_map<(d0, d1) -> (0, 0)>
module attributes {stable_mosaic.version = 14 : i64} {
  func.func @_sc_body(%arg0: i32, %arg1: i32, %arg2: memref<32x79x128xi32, #tpu.memory_space<hbm>>, %arg3: memref<32x79x128xi32, #tpu.memory_space<hbm>>, %arg4: memref<10000x128xf32, #tpu.memory_space<hbm>>, %arg5: memref<632x128xf32, #tpu.memory_space<hbm>>, %arg6: memref<2x10112x128xf32, #tpu.memory_space<hbm>>, %arg7: memref<79x128xi32, #tpu.memory_space<vmem>>, %arg8: memref<79x128xi32, #tpu.memory_space<vmem>>, %arg9: memref<128x128xf32, #tpu.memory_space<vmem>>, %arg10: memref<10112x128xf32, #tpu.memory_space<vmem_shared>>, %arg11: memref<!tpu.dma_semaphore, #tpu.memory_space<semaphore_mem>>) attributes {dimension_semantics = [#tpu.dimension_semantics<core_parallel>, #tpu.dimension_semantics<subcore_parallel>], iteration_bounds = array<i64: 2, 16>, scalar_prefetch = 0 : i64, scratch_operands = 5 : i64, tpu.core_type = #tpu.core_type<sc_vector_subcore>, window_params = [{transform_indices = #map}, {transform_indices = #map}, {transform_indices = #map1}, {transform_indices = #map1}, {transform_indices = #map}]} {
    %mul3A = arith.constant 2 : i32
    %mul3A_0 = arith.muli %arg1, %mul3A : i32
    %add3A = arith.addi %mul3A_0, %arg0 : i32
    %mul3A_1 = arith.constant 632 : i32
    %mul3A_2 = arith.muli %arg1, %mul3A_1 : i32
    "tpu.region"() ({
      %run_scoped3A = tpu.sem_alloc : memref<!tpu.dma_semaphore, #tpu.memory_space<semaphore_mem>>
      %dma_start3A = arith.constant 0 : i32
      %dma_start3A_9 = tpu.memref_slice %arg10[%mul3A_2, %dma_start3A] : memref<10112x128xf32, #tpu.memory_space<vmem_shared>> -> memref<632x128xf32, #tpu.memory_space<vmem_shared>>
      tpu.enqueue_dma source(%arg5 : memref<632x128xf32, #tpu.memory_space<hbm>>) target(%dma_start3A_9 : memref<632x128xf32, #tpu.memory_space<vmem_shared>>) target_semaphore(%run_scoped3A : memref<!tpu.dma_semaphore, #tpu.memory_space<semaphore_mem>>)
      %dma_wait3A = arith.constant 0 : i32
      %dma_wait3A_10 = tpu.memref_slice %arg10[%mul3A_2, %dma_wait3A] : memref<10112x128xf32, #tpu.memory_space<vmem_shared>> -> memref<632x128xf32, #tpu.memory_space<vmem_shared>>
      tpu.wait_dma2 semaphore(%run_scoped3A : memref<!tpu.dma_semaphore, #tpu.memory_space<semaphore_mem>>) src(%arg5 : memref<632x128xf32, #tpu.memory_space<hbm>>) dst(%dma_wait3A_10 : memref<632x128xf32, #tpu.memory_space<vmem_shared>>)
      tpu.yield
    }) : () -> ()
    "tpu.region"() ({
      %run_scoped3A = tpu.sem_alloc : memref<!tpu.dma_semaphore, #tpu.memory_space<semaphore_mem>>
      %dma_start3A = arith.constant 0 : i32
      %dma_start3A_9 = arith.constant 0 : i32
      %dma_start3A_10 = tpu.memref_slice %arg2[%add3A, %dma_start3A, %dma_start3A_9] : memref<32x79x128xi32, #tpu.memory_space<hbm>> -> memref<1x79x128xi32, #tpu.memory_space<hbm>>
      %dma_start3A_11 = tpu.memref_squeeze %dma_start3A_10 : memref<1x79x128xi32, #tpu.memory_space<hbm>> -> memref<79x128xi32, #tpu.memory_space<hbm>>
      %dma_start3A_12 = arith.constant 0 : i32
      %dma_start3A_13 = arith.constant 0 : i32
      %dma_start3A_14 = tpu.memref_slice %arg2[%add3A, %dma_start3A_12, %dma_start3A_13] : memref<32x79x128xi32, #tpu.memory_space<hbm>> -> memref<1x79x128xi32, #tpu.memory_space<hbm>>
      %dma_start3A_15 = tpu.memref_squeeze %dma_start3A_14 : memref<1x79x128xi32, #tpu.memory_space<hbm>> -> memref<79x128xi32, #tpu.memory_space<hbm>>
      tpu.enqueue_dma source(%dma_start3A_15 : memref<79x128xi32, #tpu.memory_space<hbm>>) target(%arg7 : memref<79x128xi32, #tpu.memory_space<vmem>>) target_semaphore(%run_scoped3A : memref<!tpu.dma_semaphore, #tpu.memory_space<semaphore_mem>>)
      %dma_wait3A = arith.constant 0 : i32
      %dma_wait3A_16 = arith.constant 0 : i32
      %dma_wait3A_17 = tpu.memref_slice %arg2[%add3A, %dma_wait3A, %dma_wait3A_16] : memref<32x79x128xi32, #tpu.memory_space<hbm>> -> memref<1x79x128xi32, #tpu.memory_space<hbm>>
      %dma_wait3A_18 = tpu.memref_squeeze %dma_wait3A_17 : memref<1x79x128xi32, #tpu.memory_space<hbm>> -> memref<79x128xi32, #tpu.memory_space<hbm>>
      %dma_wait3A_19 = arith.constant 0 : i32
      %dma_wait3A_20 = arith.constant 0 : i32
      %dma_wait3A_21 = tpu.memref_slice %arg2[%add3A, %dma_wait3A_19, %dma_wait3A_20] : memref<32x79x128xi32, #tpu.memory_space<hbm>> -> memref<1x79x128xi32, #tpu.memory_space<hbm>>
      %dma_wait3A_22 = tpu.memref_squeeze %dma_wait3A_21 : memref<1x79x128xi32, #tpu.memory_space<hbm>> -> memref<79x128xi32, #tpu.memory_space<hbm>>
      tpu.wait_dma2 semaphore(%run_scoped3A : memref<!tpu.dma_semaphore, #tpu.memory_space<semaphore_mem>>) src(%dma_wait3A_22 : memref<79x128xi32, #tpu.memory_space<hbm>>) dst(%arg7 : memref<79x128xi32, #tpu.memory_space<vmem>>)
      tpu.yield
    }) : () -> ()
    "tpu.region"() ({
      %run_scoped3A = tpu.sem_alloc : memref<!tpu.dma_semaphore, #tpu.memory_space<semaphore_mem>>
      %dma_start3A = arith.constant 0 : i32
      %dma_start3A_9 = arith.constant 0 : i32
      %dma_start3A_10 = tpu.memref_slice %arg3[%add3A, %dma_start3A, %dma_start3A_9] : memref<32x79x128xi32, #tpu.memory_space<hbm>> -> memref<1x79x128xi32, #tpu.memory_space<hbm>>
      %dma_start3A_11 = tpu.memref_squeeze %dma_start3A_10 : memref<1x79x128xi32, #tpu.memory_space<hbm>> -> memref<79x128xi32, #tpu.memory_space<hbm>>
      %dma_start3A_12 = arith.constant 0 : i32
      %dma_start3A_13 = arith.constant 0 : i32
      %dma_start3A_14 = tpu.memref_slice %arg3[%add3A, %dma_start3A_12, %dma_start3A_13] : memref<32x79x128xi32, #tpu.memory_space<hbm>> -> memref<1x79x128xi32, #tpu.memory_space<hbm>>
      %dma_start3A_15 = tpu.memref_squeeze %dma_start3A_14 : memref<1x79x128xi32, #tpu.memory_space<hbm>> -> memref<79x128xi32, #tpu.memory_space<hbm>>
      tpu.enqueue_dma source(%dma_start3A_15 : memref<79x128xi32, #tpu.memory_space<hbm>>) target(%arg8 : memref<79x128xi32, #tpu.memory_space<vmem>>) target_semaphore(%run_scoped3A : memref<!tpu.dma_semaphore, #tpu.memory_space<semaphore_mem>>)
      %dma_wait3A = arith.constant 0 : i32
      %dma_wait3A_16 = arith.constant 0 : i32
      %dma_wait3A_17 = tpu.memref_slice %arg3[%add3A, %dma_wait3A, %dma_wait3A_16] : memref<32x79x128xi32, #tpu.memory_space<hbm>> -> memref<1x79x128xi32, #tpu.memory_space<hbm>>
      %dma_wait3A_18 = tpu.memref_squeeze %dma_wait3A_17 : memref<1x79x128xi32, #tpu.memory_space<hbm>> -> memref<79x128xi32, #tpu.memory_space<hbm>>
      %dma_wait3A_19 = arith.constant 0 : i32
      %dma_wait3A_20 = arith.constant 0 : i32
      %dma_wait3A_21 = tpu.memref_slice %arg3[%add3A, %dma_wait3A_19, %dma_wait3A_20] : memref<32x79x128xi32, #tpu.memory_space<hbm>> -> memref<1x79x128xi32, #tpu.memory_space<hbm>>
      %dma_wait3A_22 = tpu.memref_squeeze %dma_wait3A_21 : memref<1x79x128xi32, #tpu.memory_space<hbm>> -> memref<79x128xi32, #tpu.memory_space<hbm>>
      tpu.wait_dma2 semaphore(%run_scoped3A : memref<!tpu.dma_semaphore, #tpu.memory_space<semaphore_mem>>) src(%dma_wait3A_22 : memref<79x128xi32, #tpu.memory_space<hbm>>) dst(%arg8 : memref<79x128xi32, #tpu.memory_space<vmem>>)
      tpu.yield
    }) : () -> ()
    %barrier3A = arith.constant 0 : index
    tpu.barrier barrier_id(%barrier3A)
    %scan3A = arith.constant 0 : i32
    %scan3A_3 = arith.constant 0 : i32
    %scan3A_4 = arith.constant 79 : i32
    %scan3A_5 = arith.addi %scan3A_3, %scan3A_4 : i32
    %scan3A_6 = arith.constant 1 : i32
    scf.for %scan3A_9 = %scan3A_3 to %scan3A_5 step %scan3A_6  : i32 {
      %dma_start3A = arith.constant 0 : i32
      %dma_start3A_10 = tpu.memref_slice %arg7[%scan3A_9, %dma_start3A] : memref<79x128xi32, #tpu.memory_space<vmem>> -> memref<1x128xi32, #tpu.memory_space<vmem>>
      %dma_start3A_11 = tpu.memref_squeeze %dma_start3A_10 : memref<1x128xi32, #tpu.memory_space<vmem>> -> memref<128xi32, #tpu.memory_space<vmem>>
      %dma_start3A_12 = arith.constant 0 : i32
      %dma_start3A_13 = arith.constant 0 : i32
      %dma_start3A_14 = tpu.memref_slice %arg4[%dma_start3A_12, %dma_start3A_13] : memref<10000x128xf32, #tpu.memory_space<hbm>> -> memref<10000x128xf32, #tpu.memory_space<hbm>>
      tpu.enqueue_indirect_dma source(%dma_start3A_14 : memref<10000x128xf32, #tpu.memory_space<hbm>>) target(%arg9 : memref<128x128xf32, #tpu.memory_space<vmem>>) offsets(%dma_start3A_11 : memref<128xi32, #tpu.memory_space<vmem>>) semaphore(%arg11 : memref<!tpu.dma_semaphore, #tpu.memory_space<semaphore_mem>>)
      %dma_wait3A = arith.constant 0 : i32
      %dma_wait3A_15 = tpu.memref_slice %arg7[%scan3A_9, %dma_wait3A] : memref<79x128xi32, #tpu.memory_space<vmem>> -> memref<1x128xi32, #tpu.memory_space<vmem>>
      %dma_wait3A_16 = tpu.memref_squeeze %dma_wait3A_15 : memref<1x128xi32, #tpu.memory_space<vmem>> -> memref<128xi32, #tpu.memory_space<vmem>>
      %dma_wait3A_17 = arith.constant 0 : i32
      %dma_wait3A_18 = arith.constant 0 : i32
      %dma_wait3A_19 = tpu.memref_slice %arg4[%dma_wait3A_17, %dma_wait3A_18] : memref<10000x128xf32, #tpu.memory_space<hbm>> -> memref<10000x128xf32, #tpu.memory_space<hbm>>
      tpu.wait_indirect_dma semaphore(%arg11 : memref<!tpu.dma_semaphore, #tpu.memory_space<semaphore_mem>>) src(%dma_wait3A_19 : memref<10000x128xf32, #tpu.memory_space<hbm>>) dst(%arg9 : memref<128x128xf32, #tpu.memory_space<vmem>>)
    }
    %scan3A_7 = arith.constant 79 : i32
    %barrier3A_8 = arith.constant 0 : index
    tpu.barrier barrier_id(%barrier3A_8)
    "tpu.region"() ({
      %run_scoped3A = tpu.sem_alloc : memref<!tpu.dma_semaphore, #tpu.memory_space<semaphore_mem>>
      %dma_start3A = arith.constant 0 : i32
      %dma_start3A_9 = tpu.memref_slice %arg6[%arg0, %mul3A_2, %dma_start3A] : memref<2x10112x128xf32, #tpu.memory_space<hbm>> -> memref<1x632x128xf32, #tpu.memory_space<hbm>>
      %dma_start3A_10 = tpu.memref_squeeze %dma_start3A_9 : memref<1x632x128xf32, #tpu.memory_space<hbm>> -> memref<632x128xf32, #tpu.memory_space<hbm>>
      %dma_start3A_11 = arith.constant 0 : i32
      %dma_start3A_12 = tpu.memref_slice %arg10[%mul3A_2, %dma_start3A_11] : memref<10112x128xf32, #tpu.memory_space<vmem_shared>> -> memref<632x128xf32, #tpu.memory_space<vmem_shared>>
      tpu.enqueue_dma source(%dma_start3A_12 : memref<632x128xf32, #tpu.memory_space<vmem_shared>>) target(%dma_start3A_10 : memref<632x128xf32, #tpu.memory_space<hbm>>) target_semaphore(%run_scoped3A : memref<!tpu.dma_semaphore, #tpu.memory_space<semaphore_mem>>)
      %dma_wait3A = arith.constant 0 : i32
      %dma_wait3A_13 = tpu.memref_slice %arg6[%arg0, %mul3A_2, %dma_wait3A] : memref<2x10112x128xf32, #tpu.memory_space<hbm>> -> memref<1x632x128xf32, #tpu.memory_space<hbm>>
      %dma_wait3A_14 = tpu.memref_squeeze %dma_wait3A_13 : memref<1x632x128xf32, #tpu.memory_space<hbm>> -> memref<632x128xf32, #tpu.memory_space<hbm>>
      %dma_wait3A_15 = arith.constant 0 : i32
      %dma_wait3A_16 = tpu.memref_slice %arg10[%mul3A_2, %dma_wait3A_15] : memref<10112x128xf32, #tpu.memory_space<vmem_shared>> -> memref<632x128xf32, #tpu.memory_space<vmem_shared>>
      tpu.wait_dma2 semaphore(%run_scoped3A : memref<!tpu.dma_semaphore, #tpu.memory_space<semaphore_mem>>) src(%dma_wait3A_16 : memref<632x128xf32, #tpu.memory_space<vmem_shared>>) dst(%dma_wait3A_14 : memref<632x128xf32, #tpu.memory_space<hbm>>)
      tpu.yield
    }) : () -> ()
    return
  }
}

module attributes {stable_mosaic.version = 14 : i64} {
  func.func @_tc_input_body(%arg0: memref<10000x128xf32, #tpu.memory_space<vmem>>, %arg1: memref<128x128xf32, #tpu.memory_space<vmem>>, %arg2: memref<1x128xf32, #tpu.memory_space<vmem>>, %arg3: memref<10000x128xf32, #tpu.memory_space<vmem>>) attributes {dimension_semantics = [], scalar_prefetch = 0 : i64, scratch_operands = 0 : i64, tpu.core_type = #tpu.core_type<tc>} {
    %get3A = arith.constant 0 : index
    %get3A_0 = arith.constant 0 : index
    %get3A_1 = vector.load %arg0[%get3A, %get3A_0] : memref<10000x128xf32, #tpu.memory_space<vmem>>, vector<10000x128xf32>
    %get3A_2 = arith.constant 0 : index
    %get3A_3 = arith.constant 0 : index
    %get3A_4 = vector.load %arg1[%get3A_2, %get3A_3] : memref<128x128xf32, #tpu.memory_space<vmem>>, vector<128x128xf32>
    %dot_general3A = arith.constant dense<0.000000e+00> : vector<10000x128xf32>
    %dot_general3A_5 = tpu.matmul %get3A_1, %get3A_4, %dot_general3A {dimension_numbers = #tpu.dot_dimension_numbers<[1], [0], [0], [1], [0, 0, 1, 1], [], []>, transpose_lhs_hint = false} : vector<10000x128xf32>, vector<128x128xf32>, vector<10000x128xf32> -> vector<10000x128xf32>
    %get3A_6 = arith.constant 0 : index
    %get3A_7 = arith.constant 0 : index
    %get3A_8 = vector.load %arg2[%get3A_6, %get3A_7] : memref<1x128xf32, #tpu.memory_space<vmem>>, vector<1x128xf32>
    %add3A = vector.broadcast %get3A_8 : vector<1x128xf32> to vector<10000x128xf32>
    %add3A_9 = arith.addf %dot_general3A_5, %add3A : vector<10000x128xf32>
    %max3A = arith.constant 0.000000e+00 : f32
    %max3A_10 = vector.broadcast %max3A : f32 to vector<10000x128xf32>
    %max3A_11 = arith.maximumf %add3A_9, %max3A_10 : vector<10000x128xf32>
    %swap3A = arith.constant 0 : index
    %swap3A_12 = arith.constant 0 : index
    %swap3A_13 = vector.load %arg3[%swap3A, %swap3A_12] : memref<10000x128xf32, #tpu.memory_space<vmem>>, vector<10000x128xf32>
    tpu.vector_store %arg3[%swap3A, %swap3A_12], %max3A_11 {strides = array<i32>} : memref<10000x128xf32, #tpu.memory_space<vmem>>, vector<10000x128xf32>,
    return
  }
}

module attributes {stable_mosaic.version = 14 : i64} {
  func.func @_tc_layer_body(%arg0: memref<10000x128xf32, #tpu.memory_space<vmem>>, %arg1: memref<2x10112x128xf32, #tpu.memory_space<vmem>>, %arg2: memref<1x1xf32, #tpu.memory_space<vmem>>, %arg3: memref<128x128xf32, #tpu.memory_space<vmem>>, %arg4: memref<1x128xf32, #tpu.memory_space<vmem>>, %arg5: memref<1x128xf32, #tpu.memory_space<vmem>>, %arg6: memref<1x128xf32, #tpu.memory_space<vmem>>, %arg7: memref<128x128xf32, #tpu.memory_space<vmem>>, %arg8: memref<1x128xf32, #tpu.memory_space<vmem>>, %arg9: memref<1x128xf32, #tpu.memory_space<vmem>>, %arg10: memref<1x128xf32, #tpu.memory_space<vmem>>, %arg11: memref<10000x128xf32, #tpu.memory_space<vmem>>) attributes {dimension_semantics = [], scalar_prefetch = 0 : i64, scratch_operands = 0 : i64, tpu.core_type = #tpu.core_type<tc>} {
    %get3A = arith.constant 0 : index
    %get3A_0 = arith.constant 0 : index
    %get3A_1 = vector.load %arg0[%get3A, %get3A_0] : memref<10000x128xf32, #tpu.memory_space<vmem>>, vector<10000x128xf32>
    %get3A_2 = arith.constant 0 : index
    %get3A_3 = arith.constant 0 : index
    %get3A_4 = arith.constant 0 : index
    %get3A_5 = vector.load %arg1[%get3A_2, %get3A_3, %get3A_4] : memref<2x10112x128xf32, #tpu.memory_space<vmem>>, vector<1x10000x128xf32>
    %get3A_6 = vector.shape_cast %get3A_5 : vector<1x10000x128xf32> to vector<10000x128xf32>
    %get3A_7 = arith.constant 1 : index
    %get3A_8 = arith.constant 0 : index
    %get3A_9 = arith.constant 0 : index
    %get3A_10 = vector.load %arg1[%get3A_7, %get3A_8, %get3A_9] : memref<2x10112x128xf32, #tpu.memory_space<vmem>>, vector<1x10000x128xf32>
    %get3A_11 = vector.shape_cast %get3A_10 : vector<1x10000x128xf32> to vector<10000x128xf32>
    %add3A = arith.addf %get3A_6, %get3A_11 : vector<10000x128xf32>
    %get3A_12 = arith.constant 0 : index
    %get3A_13 = arith.constant 0 : index
    %get3A_14 = vector.load %arg2[%get3A_12, %get3A_13] : memref<1x1xf32, #tpu.memory_space<vmem>>, vector<1x1xf32>
    %get3A_15 = vector.extract %get3A_14[0, 0] : f32 from vector<1x1xf32>
    %mul3A = vector.broadcast %get3A_15 : f32 to vector<10000x128xf32>
    %mul3A_16 = arith.mulf %mul3A, %get3A_1 : vector<10000x128xf32>
    %add3A_17 = arith.addf %mul3A_16, %add3A : vector<10000x128xf32>
    %get3A_18 = arith.constant 0 : index
    %get3A_19 = arith.constant 0 : index
    %get3A_20 = vector.load %arg3[%get3A_18, %get3A_19] : memref<128x128xf32, #tpu.memory_space<vmem>>, vector<128x128xf32>
    %dot_general3A = arith.constant dense<0.000000e+00> : vector<10000x128xf32>
    %dot_general3A_21 = tpu.matmul %add3A_17, %get3A_20, %dot_general3A {dimension_numbers = #tpu.dot_dimension_numbers<[1], [0], [0], [1], [0, 0, 1, 1], [], []>, transpose_lhs_hint = false} : vector<10000x128xf32>, vector<128x128xf32>, vector<10000x128xf32> -> vector<10000x128xf32>
    %get3A_22 = arith.constant 0 : index
    %get3A_23 = arith.constant 0 : index
    %get3A_24 = vector.load %arg4[%get3A_22, %get3A_23] : memref<1x128xf32, #tpu.memory_space<vmem>>, vector<1x128xf32>
    %add3A_25 = vector.broadcast %get3A_24 : vector<1x128xf32> to vector<10000x128xf32>
    %add3A_26 = arith.addf %dot_general3A_21, %add3A_25 : vector<10000x128xf32>
    %reduce_sum3A = arith.constant dense<0.000000e+00> : vector<128xf32>
    %reduce_sum3A_27 = vector.multi_reduction <add>, %add3A_26, %reduce_sum3A [0] : vector<10000x128xf32> to vector<128xf32>
    %broadcast_in_dim3A = vector.shape_cast %reduce_sum3A_27 : vector<128xf32> to vector<1x128xf32>
    %div3A = arith.constant 1.000000e+04 : f32
    %div3A_28 = vector.broadcast %div3A : f32 to vector<1x128xf32>
    %div3A_29 = arith.divf %broadcast_in_dim3A, %div3A_28 : vector<1x128xf32>
    %sub3A = vector.broadcast %div3A_29 : vector<1x128xf32> to vector<10000x128xf32>
    %sub3A_30 = arith.subf %add3A_26, %sub3A : vector<10000x128xf32>
    %sub3A_31 = vector.broadcast %div3A_29 : vector<1x128xf32> to vector<10000x128xf32>
    %sub3A_32 = arith.subf %add3A_26, %sub3A_31 : vector<10000x128xf32>
    %mul3A_33 = arith.mulf %sub3A_30, %sub3A_32 : vector<10000x128xf32>
    %reduce_sum3A_34 = arith.constant dense<0.000000e+00> : vector<128xf32>
    %reduce_sum3A_35 = vector.multi_reduction <add>, %mul3A_33, %reduce_sum3A_34 [0] : vector<10000x128xf32> to vector<128xf32>
    %broadcast_in_dim3A_36 = vector.shape_cast %reduce_sum3A_35 : vector<128xf32> to vector<1x128xf32>
    %div3A_37 = arith.constant 1.000000e+04 : f32
    %div3A_38 = vector.broadcast %div3A_37 : f32 to vector<1x128xf32>
    %div3A_39 = arith.divf %broadcast_in_dim3A_36, %div3A_38 : vector<1x128xf32>
    %get3A_40 = arith.constant 0 : index
    %get3A_41 = arith.constant 0 : index
    %get3A_42 = vector.load %arg5[%get3A_40, %get3A_41] : memref<1x128xf32, #tpu.memory_space<vmem>>, vector<1x128xf32>
    %sub3A_43 = vector.broadcast %div3A_29 : vector<1x128xf32> to vector<10000x128xf32>
    %sub3A_44 = arith.subf %add3A_26, %sub3A_43 : vector<10000x128xf32>
    %mul3A_45 = vector.broadcast %get3A_42 : vector<1x128xf32> to vector<10000x128xf32>
    %mul3A_46 = arith.mulf %mul3A_45, %sub3A_44 : vector<10000x128xf32>
    %add3A_47 = arith.constant 9.99999974E-6 : f32
    %add3A_48 = vector.broadcast %add3A_47 : f32 to vector<1x128xf32>
    %add3A_49 = arith.addf %div3A_39, %add3A_48 : vector<1x128xf32>
    %sqrt3A = math.sqrt %add3A_49 : vector<1x128xf32>
    %div3A_50 = vector.broadcast %sqrt3A : vector<1x128xf32> to vector<10000x128xf32>
    %div3A_51 = arith.divf %mul3A_46, %div3A_50 : vector<10000x128xf32>
    %get3A_52 = arith.constant 0 : index
    %get3A_53 = arith.constant 0 : index
    %get3A_54 = vector.load %arg6[%get3A_52, %get3A_53] : memref<1x128xf32, #tpu.memory_space<vmem>>, vector<1x128xf32>
    %add3A_55 = vector.broadcast %get3A_54 : vector<1x128xf32> to vector<10000x128xf32>
    %add3A_56 = arith.addf %div3A_51, %add3A_55 : vector<10000x128xf32>
    %max3A = arith.constant 0.000000e+00 : f32
    %max3A_57 = vector.broadcast %max3A : f32 to vector<10000x128xf32>
    %max3A_58 = arith.maximumf %add3A_56, %max3A_57 : vector<10000x128xf32>
    %get3A_59 = arith.constant 0 : index
    %get3A_60 = arith.constant 0 : index
    %get3A_61 = vector.load %arg7[%get3A_59, %get3A_60] : memref<128x128xf32, #tpu.memory_space<vmem>>, vector<128x128xf32>
    %dot_general3A_62 = arith.constant dense<0.000000e+00> : vector<10000x128xf32>
    %dot_general3A_63 = tpu.matmul %max3A_58, %get3A_61, %dot_general3A_62 {dimension_numbers = #tpu.dot_dimension_numbers<[1], [0], [0], [1], [0, 0, 1, 1], [], []>, transpose_lhs_hint = false} : vector<10000x128xf32>, vector<128x128xf32>, vector<10000x128xf32> -> vector<10000x128xf32>
    %get3A_64 = arith.constant 0 : index
    %get3A_65 = arith.constant 0 : index
    %get3A_66 = vector.load %arg8[%get3A_64, %get3A_65] : memref<1x128xf32, #tpu.memory_space<vmem>>, vector<1x128xf32>
    %add3A_67 = vector.broadcast %get3A_66 : vector<1x128xf32> to vector<10000x128xf32>
    %add3A_68 = arith.addf %dot_general3A_63, %add3A_67 : vector<10000x128xf32>
    %reduce_sum3A_69 = arith.constant dense<0.000000e+00> : vector<128xf32>
    %reduce_sum3A_70 = vector.multi_reduction <add>, %add3A_68, %reduce_sum3A_69 [0] : vector<10000x128xf32> to vector<128xf32>
    %broadcast_in_dim3A_71 = vector.shape_cast %reduce_sum3A_70 : vector<128xf32> to vector<1x128xf32>
    %div3A_72 = arith.constant 1.000000e+04 : f32
    %div3A_73 = vector.broadcast %div3A_72 : f32 to vector<1x128xf32>
    %div3A_74 = arith.divf %broadcast_in_dim3A_71, %div3A_73 : vector<1x128xf32>
    %sub3A_75 = vector.broadcast %div3A_74 : vector<1x128xf32> to vector<10000x128xf32>
    %sub3A_76 = arith.subf %add3A_68, %sub3A_75 : vector<10000x128xf32>
    %sub3A_77 = vector.broadcast %div3A_74 : vector<1x128xf32> to vector<10000x128xf32>
    %sub3A_78 = arith.subf %add3A_68, %sub3A_77 : vector<10000x128xf32>
    %mul3A_79 = arith.mulf %sub3A_76, %sub3A_78 : vector<10000x128xf32>
    %reduce_sum3A_80 = arith.constant dense<0.000000e+00> : vector<128xf32>
    %reduce_sum3A_81 = vector.multi_reduction <add>, %mul3A_79, %reduce_sum3A_80 [0] : vector<10000x128xf32> to vector<128xf32>
    %broadcast_in_dim3A_82 = vector.shape_cast %reduce_sum3A_81 : vector<128xf32> to vector<1x128xf32>
    %div3A_83 = arith.constant 1.000000e+04 : f32
    %div3A_84 = vector.broadcast %div3A_83 : f32 to vector<1x128xf32>
    %div3A_85 = arith.divf %broadcast_in_dim3A_82, %div3A_84 : vector<1x128xf32>
    %get3A_86 = arith.constant 0 : index
    %get3A_87 = arith.constant 0 : index
    %get3A_88 = vector.load %arg9[%get3A_86, %get3A_87] : memref<1x128xf32, #tpu.memory_space<vmem>>, vector<1x128xf32>
    %sub3A_89 = vector.broadcast %div3A_74 : vector<1x128xf32> to vector<10000x128xf32>
    %sub3A_90 = arith.subf %add3A_68, %sub3A_89 : vector<10000x128xf32>
    %mul3A_91 = vector.broadcast %get3A_88 : vector<1x128xf32> to vector<10000x128xf32>
    %mul3A_92 = arith.mulf %mul3A_91, %sub3A_90 : vector<10000x128xf32>
    %add3A_93 = arith.constant 9.99999974E-6 : f32
    %add3A_94 = vector.broadcast %add3A_93 : f32 to vector<1x128xf32>
    %add3A_95 = arith.addf %div3A_85, %add3A_94 : vector<1x128xf32>
    %sqrt3A_96 = math.sqrt %add3A_95 : vector<1x128xf32>
    %div3A_97 = vector.broadcast %sqrt3A_96 : vector<1x128xf32> to vector<10000x128xf32>
    %div3A_98 = arith.divf %mul3A_92, %div3A_97 : vector<10000x128xf32>
    %get3A_99 = arith.constant 0 : index
    %get3A_100 = arith.constant 0 : index
    %get3A_101 = vector.load %arg10[%get3A_99, %get3A_100] : memref<1x128xf32, #tpu.memory_space<vmem>>, vector<1x128xf32>
    %add3A_102 = vector.broadcast %get3A_101 : vector<1x128xf32> to vector<10000x128xf32>
    %add3A_103 = arith.addf %div3A_98, %add3A_102 : vector<10000x128xf32>
    %max3A_104 = arith.constant 0.000000e+00 : f32
    %max3A_105 = vector.broadcast %max3A_104 : f32 to vector<10000x128xf32>
    %max3A_106 = arith.maximumf %add3A_103, %max3A_105 : vector<10000x128xf32>
    %swap3A = arith.constant 0 : index
    %swap3A_107 = arith.constant 0 : index
    %swap3A_108 = vector.load %arg11[%swap3A, %swap3A_107] : memref<10000x128xf32, #tpu.memory_space<vmem>>, vector<10000x128xf32>
    tpu.vector_store %arg11[%swap3A, %swap3A_107], %max3A_106 {strides = array<i32>} : memref<10000x128xf32, #tpu.memory_space<vmem>>, vector<10000x128xf32>,
    return
  }
}

module attributes {stable_mosaic.version = 14 : i64} {
  func.func @_tc_final_body(%arg0: memref<10000x128xf32, #tpu.memory_space<vmem>>, %arg1: memref<1x10000xi32, #tpu.memory_space<vmem>>, %arg2: memref<128x64xf32, #tpu.memory_space<vmem>>, %arg3: memref<1x64xf32, #tpu.memory_space<vmem>>, %arg4: memref<1x64xf32, #tpu.memory_space<vmem>>, %arg5: memref<1x1xf32, #tpu.memory_space<vmem>>, %arg6: memref<1x256xf32, #tpu.memory_space<vmem>>) attributes {dimension_semantics = [], scalar_prefetch = 0 : i64, scratch_operands = 0 : i64, tpu.core_type = #tpu.core_type<tc>} {
    %iota3A = tpu.iota {dimensions = array<i32: 0>} : vector<256x10000xi32>
    %get3A = arith.constant 0 : index
    %get3A_0 = arith.constant 0 : index
    %get3A_1 = vector.load %arg1[%get3A, %get3A_0] : memref<1x10000xi32, #tpu.memory_space<vmem>>, vector<1x10000xi32>
    %eq3A = vector.broadcast %get3A_1 : vector<1x10000xi32> to vector<256x10000xi32>
    %eq3A_2 = arith.cmpi eq, %eq3A, %iota3A : vector<256x10000xi32>
    %convert_element_type3A = arith.extui %eq3A_2 : vector<256x10000xi1> to vector<256x10000xi32>
    %convert_element_type3A_3 = arith.sitofp %convert_element_type3A : vector<256x10000xi32> to vector<256x10000xf32>
    %reduce_sum3A = arith.constant dense<0.000000e+00> : vector<256xf32>
    %reduce_sum3A_4 = vector.multi_reduction <add>, %convert_element_type3A_3, %reduce_sum3A [1] : vector<256x10000xf32> to vector<256xf32>
    %broadcast_in_dim3A = vector.shape_cast %reduce_sum3A_4 : vector<256xf32> to vector<256x1xf32>
    %max3A = arith.constant 1.000000e+00 : f32
    %max3A_5 = vector.broadcast %max3A : f32 to vector<256x1xf32>
    %max3A_6 = arith.maximumf %broadcast_in_dim3A, %max3A_5 : vector<256x1xf32>
    %get3A_7 = arith.constant 0 : index
    %get3A_8 = arith.constant 0 : index
    %get3A_9 = vector.load %arg0[%get3A_7, %get3A_8] : memref<10000x128xf32, #tpu.memory_space<vmem>>, vector<10000x128xf32>
    %dot_general3A = arith.constant dense<0.000000e+00> : vector<256x128xf32>
    %dot_general3A_10 = tpu.matmul %convert_element_type3A_3, %get3A_9, %dot_general3A {dimension_numbers = #tpu.dot_dimension_numbers<[1], [0], [0], [1], [0, 0, 1, 1], [], []>, transpose_lhs_hint = false} : vector<256x10000xf32>, vector<10000x128xf32>, vector<256x128xf32> -> vector<256x128xf32>
    %div3A = vector.broadcast %max3A_6 : vector<256x1xf32> to vector<256x128xf32>
    %div3A_11 = arith.divf %dot_general3A_10, %div3A : vector<256x128xf32>
    %get3A_12 = arith.constant 0 : index
    %get3A_13 = arith.constant 0 : index
    %get3A_14 = vector.load %arg2[%get3A_12, %get3A_13] : memref<128x64xf32, #tpu.memory_space<vmem>>, vector<128x64xf32>
    %dot_general3A_15 = arith.constant dense<0.000000e+00> : vector<256x64xf32>
    %dot_general3A_16 = tpu.matmul %div3A_11, %get3A_14, %dot_general3A_15 {dimension_numbers = #tpu.dot_dimension_numbers<[1], [0], [0], [1], [0, 0, 1, 1], [], []>, transpose_lhs_hint = false} : vector<256x128xf32>, vector<128x64xf32>, vector<256x64xf32> -> vector<256x64xf32>
    %get3A_17 = arith.constant 0 : index
    %get3A_18 = arith.constant 0 : index
    %get3A_19 = vector.load %arg3[%get3A_17, %get3A_18] : memref<1x64xf32, #tpu.memory_space<vmem>>, vector<1x64xf32>
    %add3A = vector.broadcast %get3A_19 : vector<1x64xf32> to vector<256x64xf32>
    %add3A_20 = arith.addf %dot_general3A_16, %add3A : vector<256x64xf32>
    %max3A_21 = arith.constant 0.000000e+00 : f32
    %max3A_22 = vector.broadcast %max3A_21 : f32 to vector<256x64xf32>
    %max3A_23 = arith.maximumf %add3A_20, %max3A_22 : vector<256x64xf32>
    %get3A_24 = arith.constant 0 : index
    %get3A_25 = arith.constant 0 : index
    %get3A_26 = vector.load %arg4[%get3A_24, %get3A_25] : memref<1x64xf32, #tpu.memory_space<vmem>>, vector<1x64xf32>
    %mul3A = vector.broadcast %get3A_26 : vector<1x64xf32> to vector<256x64xf32>
    %mul3A_27 = arith.mulf %max3A_23, %mul3A : vector<256x64xf32>
    %reduce_sum3A_28 = arith.constant dense<0.000000e+00> : vector<256xf32>
    %reduce_sum3A_29 = vector.multi_reduction <add>, %mul3A_27, %reduce_sum3A_28 [1] : vector<256x64xf32> to vector<256xf32>
    %get3A_30 = arith.constant 0 : index
    %get3A_31 = arith.constant 0 : index
    %get3A_32 = vector.load %arg5[%get3A_30, %get3A_31] : memref<1x1xf32, #tpu.memory_space<vmem>>, vector<1x1xf32>
    %get3A_33 = vector.extract %get3A_32[0, 0] : f32 from vector<1x1xf32>
    %add3A_34 = vector.broadcast %get3A_33 : f32 to vector<256xf32>
    %add3A_35 = arith.addf %reduce_sum3A_29, %add3A_34 : vector<256xf32>
    %broadcast_in_dim3A_36 = vector.shape_cast %add3A_35 : vector<256xf32> to vector<1x256xf32>
    %swap3A = arith.constant 0 : index
    %swap3A_37 = arith.constant 0 : index
    %swap3A_38 = vector.load %arg6[%swap3A, %swap3A_37] : memref<1x256xf32, #tpu.memory_space<vmem>>, vector<1x256xf32>
    tpu.vector_store %arg6[%swap3A, %swap3A_37], %broadcast_in_dim3A_36 {strides = array<i32>} : memref<1x256xf32, #tpu.memory_space<vmem>>, vector<1x256xf32>,
    return
  }
}

</mosaic_0001>

<sc_bundles>
// kernel: kernel.14.cloned.1.call-start
scs
__scs_entry_jumppad:
0x0: {  	(pc) =	sbr.rel $0x88, $3  }
0x1: {  	(tag) =	ssettag $0x0;
	lr =	simm.s32 $0x1  }
0x2: {  	[smem:$0x3F8F] =	sst lr;
	_ =	strace $0xD0000000  }
0x3: {  	_ = 	snop  }
0x4: {  	_ = 	snop  }
0x5: {  	_ = 	snop  }
0x6: {  	_ = 	snop  }
0x7: {  	_ = 	snop  }
__scs_overlays_trampoline_lowered:
0x8: {  	[smem:$0x3F9E] =	sst s0  }
0x9: {  	[smem:$0x3F9F] =	sst s1  }
0xa: {  	[smem:$0x3FA0] =	sst s2  }
0xb: {  	[smem:$0x3FA1] =	sst s3  }
0xc: {  	[smem:$0x3FA2] =	sst s4  }
0xd: {  	[smem:$0x3FA3] =	sst s5  }
0xe: {  	[smem:$0x3FA4] =	sst s6  }
0xf: {  	[smem:$0x3FA5] =	sst s7  }
0x10: {  	[smem:$0x3FA6] =	sst s8  }
0x11: {  	[smem:$0x3FA7] =	sst s9;
	s0 =	simm.s32 @!p0 $0x0  }
0x12: {  	s1 =	sld [smem:$0x3F8D];
	s0 =	simm.s32 @p0 $0x1  }
0x13: {  	[smem:$0x3FA8] =	sst s0;
	s0 =	simm.s32 @!p1 $0x0  }
0x14: {  	s2 =	sld [smem:$0x3F8C];
	s0 =	simm.s32 @p1 $0x1  }
0x15: {  	[smem:$0x3FA9] =	sst s0;
	s0 =	simm.s32 @!p2 $0x0  }
0x16: {  	s3 =	sld [smem:$0x3FDB];
	s0 =	simm.s32 @p2 $0x1  }
0x17: {  	s4 =	simm.s32 $0x1BF5;
	[smem:$0x3FAB] =	sst s0  }
0x18: {  	s0 =	sld [smem:$0x3F8E];
	_ =	swait.ge [sflag:s4], $0x0  }
0x19: {  	s7 =	sld [smem:$0x3F8F]  }
0x1a: {  	s8 =	sadd.s32 $0xFFFFE003, lr  }
0x1b: {  	s9 =	sadd.s32 $0xFFFFFEF7, lr;
	s5 =	simm.s32 $0xFFFFFFFF;
	p2 =	slt.u32 s8, $0xFFFFF086  }
0x1c: {  	p1 =	slt.u32 s9, $0xF7A;
	s5 =	simm.s32 @!p2 $0x0  }
0x1d: {  	s5 =	simm.s32 @p1 $0x1;
	p0 =	seq.s32 s7, s2  }
0x1e: {  	s7 =	smul.u32 @!p0 $0xF7A, s2;
	p2 =	seq.s32 @!p0 s5, $0x0  }
0x1f: {  	s9 =	smul.u32 $0xF7A, s1;
	s8 =	simm.s32 @!p0 $0x1BF5;
	p2 =	por !p2, p0  }
0x20: {  	[sflag:s8] =	ssyncset.s32 @!p0 $0xFFFFF086;
	s6 =	sadd.s32 @!p0 s3, s7;
	s7 =	simm.s32 @!p0 $0x108  }
0x21: {  	s3 =	sadd.s32 s3, s9;
	s6 =	sadd.s32 @!p0 $0x88, s6;
	s7 =	simm.s32 @p2 $0x1082  }
0x22: {  	[simem:s7], [sflag:s8] =	dma.local @!p0 [hbm:s6], $0xF7A  }
0x23: {  	s9 =	sor.u32 $0xD0000000, s2;
	s6 =	simm.s32 $0x108;
	_ =	swait.ge @!p0 [sflag:s8], $0x0  }
0x24: {  	s3 =	sadd.s32 $0x88, s3;
	s6 =	simm.s32 @!p1 $0x1082;
	[sflag:s4] =	ssyncset.s32 $0xFFFFF086  }
0x25: {  	[simem:s6], [sflag:s4] =	dma.local [hbm:s3], $0xF7A  }
0x26: {  	[smem:$0x3F8F] =	sst s1;
	(tag) =	ssettag s2;
	_ =	strace s9  }
0x27: {  	s1 =	sld [smem:$0x3F9F]  }
0x28: {  	s2 =	sld [smem:$0x3FA0]  }
0x29: {  	s4 =	sld [smem:$0x3FA2]  }
0x2a: {  	p0 =	seq.s32 s5, $0x0;
	s5 =	sld [smem:$0x3FA3]  }
0x2b: {  	s6 =	sld [smem:$0x3FA4]  }
0x2c: {  	s7 =	sld [smem:$0x3FA5]  }
0x2d: {  	s3 =	simm.s32 $0x108;
	s8 =	sld [smem:$0x3FA6]  }
0x2e: {  	s3 =	simm.s32 @!p0 $0x1082;
	s9 =	sld [smem:$0x3FA7]  }
0x2f: {  	lr =	sadd.s32 s0, s3;
	s0 =	sld [smem:$0x3F9E]  }
0x30: {  	s3 =	sld [smem:$0x3FA1]  }
0x31: {  	[smem:$0x3FAA] =	sst s10  }
0x32: {  	s10 =	sld [smem:$0x3FA8];
	_ =	sdelay $0x3  }
0x33: {  	p0 =	seq.s32 s10, $0x1;
	s10 =	sld [smem:$0x3FAA];
	_ =	sdelay $0x3  }
0x34: {  	[smem:$0x3FAA] =	sst s10  }
0x35: {  	s10 =	sld [smem:$0x3FA9];
	_ =	sdelay $0x3  }
0x36: {  	p1 =	seq.s32 s10, $0x1;
	s10 =	sld [smem:$0x3FAA];
	_ =	sdelay $0x3  }
0x37: {  	[smem:$0x3FAA] =	sst s10  }
0x38: {  	s10 =	sld [smem:$0x3FAB]  }
0x39: {  	_ = 	snop;
	(pc) =	sbr.ind lr, $3  }
0x3a: {  	_ = 	snop  }
0x3b: {  	_ = 	snop  }
0x3c: {  	p2 =	seq.s32 s10, $0x1;
	s10 =	sld [smem:$0x3FAA]  }
0x3d: {  	_ =	shalt  }
0x3e: {  	_ =	shalt  }
0x3f: {  	_ =	shalt  }
0x40: {  	_ =	shalt  }
0x41: {  	_ =	shalt  }
0x42: {  	_ =	shalt  }
0x43: {  	_ =	shalt  }
0x44: {  	_ =	shalt  }
0x45: {  	_ =	shalt  }
0x46: {  	_ =	shalt  }
0x47: {  	_ =	shalt  }
0x48: {  	_ =	shalt  }
0x49: {  	_ =	shalt  }
0x4a: {  	_ =	shalt  }
0x4b: {  	_ =	shalt  }
0x4c: {  	_ =	shalt  }
0x4d: {  	_ =	shalt  }
0x4e: {  	_ =	shalt  }
0x4f: {  	_ =	shalt  }
0x50: {  	_ =	shalt  }
0x51: {  	_ =	shalt  }
0x52: {  	_ =	shalt  }
0x53: {  	_ =	shalt  }
0x54: {  	_ =	shalt  }
0x55: {  	_ =	shalt  }
0x56: {  	_ =	shalt  }
0x57: {  	_ =	shalt  }
0x58: {  	_ =	shalt  }
0x59: {  	_ =	shalt  }
0x5a: {  	_ =	shalt  }
0x5b: {  	_ =	shalt  }
0x5c: {  	_ =	shalt  }
0x5d: {  	_ =	shalt  }
0x5e: {  	_ =	shalt  }
0x5f: {  	_ =	shalt  }
0x60: {  	_ =	shalt  }
0x61: {  	_ =	shalt  }
0x62: {  	_ =	shalt  }
0x63: {  	_ =	shalt  }
0x64: {  	_ =	shalt  }
0x65: {  	_ =	shalt  }
0x66: {  	_ =	shalt  }
0x67: {  	_ =	shalt  }
0x68: {  	_ =	shalt  }
0x69: {  	_ =	shalt  }
0x6a: {  	_ =	shalt  }
0x6b: {  	_ =	shalt  }
0x6c: {  	_ =	shalt  }
0x6d: {  	_ =	shalt  }
0x6e: {  	_ =	shalt  }
0x6f: {  	_ =	shalt  }
0x70: {  	_ =	shalt  }
0x71: {  	_ =	shalt  }
0x72: {  	_ =	shalt  }
0x73: {  	_ =	shalt  }
0x74: {  	_ =	shalt  }
0x75: {  	_ =	shalt  }
0x76: {  	_ =	shalt  }
0x77: {  	_ =	shalt  }
0x78: {  	_ =	shalt  }
0x79: {  	_ =	shalt  }
0x7a: {  	_ =	shalt  }
0x7b: {  	_ =	shalt  }
0x7c: {  	_ =	shalt  }
0x7d: {  	_ =	shalt  }
0x7e: {  	_ =	shalt  }
0x7f: {  	_ =	shalt  }
0x80: {  	_ =	shalt  }
0x81: {  	_ =	shalt  }
0x82: {  	_ =	shalt  }
0x83: {  	_ =	shalt  }
0x84: {  	_ =	shalt  }
0x85: {  	_ =	shalt  }
0x86: {  	_ =	shalt  }
0x87: {  	_ =	shalt  }
.Lfunc_end0:
.L_simem_size_0:
called_computation_lowered:
.L_overlay_start_0:
0x88: {  	s2 =	sld [smem:$0x3FD9]  }
0x89: {  	s3 =	sld [smem:$0x3FFE];
	_ =	sdelay $0x1  }
0x8a: {  	s1 =	srdreg.scid  }
0x8b: {  	s0 =	sand.u32 $0x1, s1  }
0x8c: {  	s16 =	sshll.u32 s0, $0xA;
	s2 =	sadd.s32 s3, s2  }
0x8d: {  	s2 =	sadd.s32 s2, s16  }
0x8e: {  	[smem:$0x3FB6] =	sst s2  }
0x8f: {  	_ = 	snop  }
0x90: {  	(tm) =	ssettm $0x1  }
0x91: {  	s17 =	sld [smem:$0x3FFB];
	_ =	sdelay $0x3  }
0x92: {  	_ =	strace s17  }
0x93: {  	s2 =	sld [smem:$0x3FFC];
	_ =	sdelay $0x3  }
0x94: {  	_ =	strace s2  }
0x95: {  	s2 =	sld [smem:$0x3FFD];
	_ =	sdelay $0x3  }
0x96: {  	_ =	strace s2  }
0x97: {  	_ =	strace $0x8FFFFFFF  }
0x98: {  	s18 =	sld [smem:$0x3FDB];
	_ =	sdelay $0x1  }
0x99: {  	s19 =	simm.s32 $_scs_section_size  }
0x9a: {  	s4 =	simm.s32 $_size__tile_overlayer_lowered;
	s5 =	simm.s32 $_tile_overlayer_lowered  }
0x9b: {  	s22 =	simm.s32 $0x1BFF;
	s21 =	sshll.u32 s5, $0x1;
	s2 =	sadd.s32 s19, s18  }
0x9c: {  	s6 =	simm.s32 $0x0;
	s20 =	sshll.u32 s4, $0x1;
	s4 =	sadd.s32 s21, s2  }
0x9d: {  	[timem:s6], [sflag:s22] =	dma.local [hbm:s4], s20  }
0x9e: {  	_ =	swait.ge [sflag:s22], s20  }
0x9f: {  	s3 =	ssub.s32 $0x0, s20;
	[sflag:s22] =	ssyncset.done $0x0  }
0xa0: {  	[sflag:s22] =	ssyncadd.s32 s3;
	_ =	sdelay $0x1  }
0xa1: {  	s23 =	simm.s32 $0x1B8B  }
0xa2: {  	_ =	swait.ge [sflag:s23], $0x1  }
0xa3: {  	[sflag:s23] =	ssyncset.done $0x0  }
0xa4: {  	s25 =	simm.s32 $0x1B8E;
	s24 =	sld [smem:$0x3FFE];
	[sflag:s23] =	ssyncadd.s32 $0xFFFFFFFF  }
0xa5: {  	s26 =	simm.s32 $execute0_lowered;
	[smem:$0x3FD2] =	sst s25  }
0xa6: {  	s4 =	sshll.u32 s26, $0x1;
	_ =	strace $0x80000046;
	[dreg:$0x1] =	wrdreg $0xFFFFFFFF  }
0xa7: {  	s28 =	simm.s32 $_size_execute0_lowered;
	s2 =	sadd.s32 s2, s4;
	[dreg:$0x0] =	wrdreg $0x0  }
0xa8: {  	s4 =	sshll.u32 s28, $0x1;
	[dreg:$0x2] =	wrdreg s2  }
0xa9: {  	[dreg:$0x3] =	wrdreg s4  }
0xaa: {  	[dreg:$0x4] =	wrdreg $0xC0  }
0xab: {  	_ =	task [dreg:s6], $0x5FFFF  }
0xac: {  	[dreg:$0x1] =	wrdreg $0xFFFFFFFF  }
0xad: {  	[dreg:$0x0] =	wrdreg $0x60  }
0xae: {  	[dreg:$0x2] =	wrdreg s24  }
0xaf: {  	[dreg:$0x3] =	wrdreg $0x90000  }
0xb0: {  	[dreg:$0x4] =	wrdreg $0x9  }
0xb1: {  	_ =	task.clear_ibuf [dreg:s6], $0x5FFFF;
	_ =	strace $0x90000046  }
0xb2: {  	s29 =	simm.s32 $0x9;
	_ =	strace $0x80000048  }
0xb3: {  	_ =	swait.ge [sflag:s29], $0x1  }
0xb4: {  	[sflag:s29] =	ssyncadd.s32 $0xFFFFFFFF  }
0xb5: {  	_ =	strace $0x90000048  }
0xb6: {  	_ =	sfence  }
0xb7: {  	s30 =	sld [smem:$0x0];
	_ =	sdelay $0x2  }
0xb8: {  	s31 =	sshll.u32 s1, $0xD;
	s1 =	sshrl.u32 s1, $0x2  }
0xb9: {  	s3 =	sand.u32 $0x4000, s31;
	s1 =	sadd.s32 s1, s30  }
0xba: {  	s0 =	sor.u32 s3, s0;
	s1 =	sshll.u32 s1, $0x11  }
0xbb: {  	s0 =	sor.u32 s1, s0  }
0xbc: {  	s0 =	sadd.s32 $0x8F2B, s0  }
0xbd: {  	[sflag:s0] =	ssyncadd.remote.s32 $0x1  }
0xbe: {  	_ =	sfence.sel $0xFFFF  }
0xbf: {  	[dreg:$0x0] =	wrdreg $0xFFFFFFFF;
	(pc) =	sbr.abs _section_cstart, $3  }
0xc0: {  	[dreg:$0x1] =	wrdreg $0xFFFFFFFF  }
0xc1: {  	_ =	task.clear_ibuf [dreg:s6], $0x2FFFF;
	_ =	strace $0x9FFFFFFF  }
0xc2: {  	(tm) =	ssettm $0x7FFFFFFF  }
0xc3: {  	_ =	shalt  }
tec
execute0_lowered:
.L_overlay_start_1:
0x0: {  	(tag) =	ssettag $0x1  }
0x1: {  	s1 =	srdreg.scid  }
0x2: {  	s0 =	stileid.u32;
	s6 =	rddreg [dreg:$0x0]  }
0x3: {  	s7 =	rddreg [dreg:$0x1];
	s2 =	simm.s32 $0x0;
	s12 =	simm.s32 $0x2800  }
0x4: {  	s13 =	simm.s32 $0x80;
	s14 =	simm.s32 $0x5000;
	s15 =	simm.s32 $0x1  }
0x5: {  	s16 =	simm.s32 $0x0;
	s5 =	sand.u32 $0x1, s1;
	s8 =	smul.u32 $0x13C00, s0  }
0x6: {  	s29 =	sshll.u32 s0, $0x1;
	[smem:$0x7FF] =	sst s2;
	s10 =	smul.u32 $0x4F000, s0  }
0x7: {  	s31 =	sshll.u32 s0, $0x6;
	s1 =	sor.u32 s5, s29;
	s4 =	smul.u32 $0x13C000, s5  }
0x8: {  	s5 =	ssub.s32 $0x2, s5;
	s3 =	smul.u32 $0x500, s1;
	s1 =	rddreg [dreg:$0x2]  }
0x9: {  	_ =	strace $0x80000047;
	s30 =	sshrl.u32 s5, $0x1;
	s10 =	sshrl.u32 s10, $0x2  }
0xa: {  	s8 =	sadd.s32 s8, s4;
	s4 =	sadd.s32 $0x40C00, s6;
	s11 =	ssub.s32 s5, s30  }
0xb: {  	s10 =	sadd.s32 s10, s7;
	s5 =	sor.u32 $0x1C02, s31;
	s9 =	sadd.s32 s3, s6  }
0xc: {  	s3 =	sadd.s32 $0x19A00, s6;
	s8 =	sshrl.u32 s8, $0x3;
	s10 =	sshrl.u32 s10, $0x3  }
0xd: {  	s8 =	sadd.s32 s8, s6;
	s6 =	sadd.s32 $0x5A00, s9;
	s7 =	sadd.s32 $0xFA00, s9  }
0xe: {  	s9 =	smax.u32 s11, $0x1;
	s11 =	simm.s32 $0x2;
	s8 =	sadd.s32 $0x43400, s8  }
.LBB2_1:
0xf: {  	[spmem:s10], [sflag:s5] =	dma.local [hbm:s4], $0x2780  }
0x10: {  	_ =	swait.ge [sflag:s11], $0x2780  }
0x11: {  	[sflag:s11] =	ssyncset.done $0x0  }
0x12: {  	[sflag:s11] =	ssyncadd.s32 $0xFFFFD880  }
0x13: {  	[tilespmem:s2], [sflag:$0x2] =	stream.linear.gather [hbm4b:s6+s2], $0x2780, $0x38;
	[tilespmem:$0x1CC00] =	vst v63  }
0x14: {  	_ =	swait.ge [sflag:s11], $0x2780  }
0x15: {  	[sflag:s11] =	ssyncset.done $0x0  }
0x16: {  	[sflag:s11] =	ssyncadd.s32 $0xFFFFD880  }
0x17: {  	[tilespmem:s12], [sflag:$0x2] =	stream.linear.gather [hbm4b:s7+s2], $0x2780, $0x38;
	[tilespmem:$0x1CC00] =	vst v63  }
0x18: {  	_ =	swait.ge [sflag:s11], $0x2780  }
0x19: {  	[sflag:s11] =	ssyncset.done $0x0  }
0x1a: {  	[sflag:s11] =	ssyncadd.s32 $0xFFFFD880  }
0x1b: {  	s17 =	simm.s32 $0x0;
	[bflag:$0x0] =	sbarrier.arrive $0xFFFF  }
0x1c: {  	[tilespmem:s14], [sflag:$0x1] =	stream.indirect.gather [hbm4b:s3+s13], $0x80, s17, s13, $0xb8;
	[tilespmem:$0x1CC00] =	vst v63  }
0x1d: {  	_ =	swait.ge [sflag:s15], $0x4000  }
0x1e: {  	s17 =	simm.s32 $0x200;
	[sflag:s15] =	ssyncset.done $0x0  }
.LBB2_2:
0x1f: {  	s18 =	sshra.s32 s17, $0x2;
	[sflag:s15] =	ssyncadd.s32 $0xFFFFC000;
	p0 =	sne.s32 s17, $0x9C00  }
0x20: {  	[tilespmem:s14], [sflag:$0x1] =	stream.indirect.gather [hbm4b:s3+s13], $0x80, s18, s13, $0xb8;
	[tilespmem:$0x1CC00] =	vst v63  }
.Ltmp0:
0x21: {  	_ = 	snop;
	(pc) =	sbr.rel @p0 .LBB2_2-.Ltmp0, $4  }
0x22: {  	_ = 	snop  }
0x23: {  	s17 =	sadd.s32 $0x200, s17  }
0x24: {  	_ =	swait.ge [sflag:s15], $0x4000  }
0x25: {  	[sflag:s15] =	ssyncset.done $0x0  }
0x26: {  	s16 =	sadd.s32 $0x1, s16  }
0x27: {  	[sflag:s15] =	ssyncadd.s32 $0xFFFFC000;
	p0 =	sne.s32 s16, s9  }
.Ltmp1:
0x28: {  	[bflag:$0x0] =	sbarrier.arrive $0xFFFF;
	(pc) =	sbr.rel @p0 .LBB2_1-.Ltmp1, $4  }
0x29: {  	[hbm:s8], [sflag:s5] =	dma.local [spmem:s10], $0x2780  }
0x2a: {  	_ =	swait.ge [sflag:s11], $0x2780  }
0x2b: {  	[sflag:s11] =	ssyncset.done $0x0  }
0x2c: {  	[sflag:s11] =	ssyncadd.s32 $0xFFFFD880  }
0x2d: {  	_ =	sfence.sel $0x180000  }
0x2e: {  	[bflag:$0x0] =	sbarrier.arrive $0xFFFF  }
0x2f: {  	p0 =	sne.s32 s0, $0x0;
	_ =	strace $0x90000047  }
0x30: {  	s0 =	sadd.s32 @!p0 $0x100000, s1;
	[bflag:$0x2] =	sbarrier.arrive $0xFFFF  }
0x31: {  	[sflag:s0] =	ssyncadd.tile.s32 @!p0 $0x1;
	_ =	shalt  }
.Lfunc_end2:
_tile_overlayer_lowered:
.L_overlay_start_2:
0x32: {  	(tag) =	ssettag $0x2  }
0x33: {  	s0 =	rddreg [dreg:$0x0];
	s2 =	stileid.u32  }
0x34: {  	s1 =	rddreg [dreg:$0x1];
	p0 =	sne.s32 s2, $0x0  }
0x35: {  	s3 =	rddreg [dreg:$0x2];
	[bflag:$0x3] =	sbarrier.arrive $0xFFFF;
	s2 =	simm.s32 @!p0 $0x1C02  }
0x36: {  	[timem:s3], [sflag:s2] =	dma.local @!p0 [hbm:s0], s1  }
0x37: {  	s0 =	simm.s32 @!p0 $0x2  }
0x38: {  	_ =	swait.ge @!p0 [sflag:s0], s1  }
0x39: {  	s1 =	ssub.s32 @!p0 $0x0, s1;
	[sflag:s0] =	ssyncset.done @!p0 $0x0  }
0x3a: {  	[sflag:s0] =	ssyncadd.s32 @!p0 s1  }
0x3b: {  	[bflag:$0x3] =	sbarrier.arrive $0xFFFF  }
0x3c: {  	_ =	shalt  }

// kernel: kernel.17.cloned.1.call-start
scs
__scs_entry_jumppad:
0x0: {  	(pc) =	sbr.rel $0x88, $3  }
0x1: {  	(tag) =	ssettag $0x0;
	lr =	simm.s32 $0x1  }
0x2: {  	[smem:$0x3F8F] =	sst lr;
	_ =	strace $0xD0000000  }
0x3: {  	_ = 	snop  }
0x4: {  	_ = 	snop  }
0x5: {  	_ = 	snop  }
0x6: {  	_ = 	snop  }
0x7: {  	_ = 	snop  }
__scs_overlays_trampoline_lowered:
0x8: {  	[smem:$0x3F9E] =	sst s0  }
0x9: {  	[smem:$0x3F9F] =	sst s1  }
0xa: {  	[smem:$0x3FA0] =	sst s2  }
0xb: {  	[smem:$0x3FA1] =	sst s3  }
0xc: {  	[smem:$0x3FA2] =	sst s4  }
0xd: {  	[smem:$0x3FA3] =	sst s5  }
0xe: {  	[smem:$0x3FA4] =	sst s6  }
0xf: {  	[smem:$0x3FA5] =	sst s7  }
0x10: {  	[smem:$0x3FA6] =	sst s8  }
0x11: {  	[smem:$0x3FA7] =	sst s9;
	s0 =	simm.s32 @!p0 $0x0  }
0x12: {  	s1 =	sld [smem:$0x3F8D];
	s0 =	simm.s32 @p0 $0x1  }
0x13: {  	[smem:$0x3FA8] =	sst s0;
	s0 =	simm.s32 @!p1 $0x0  }
0x14: {  	s2 =	sld [smem:$0x3F8C];
	s0 =	simm.s32 @p1 $0x1  }
0x15: {  	[smem:$0x3FA9] =	sst s0;
	s0 =	simm.s32 @!p2 $0x0  }
0x16: {  	s3 =	sld [smem:$0x3FDB];
	s0 =	simm.s32 @p2 $0x1  }
0x17: {  	s4 =	simm.s32 $0x1BF5;
	[smem:$0x3FAB] =	sst s0  }
0x18: {  	s0 =	sld [smem:$0x3F8E];
	_ =	swait.ge [sflag:s4], $0x0  }
0x19: {  	s7 =	sld [smem:$0x3F8F]  }
0x1a: {  	s8 =	sadd.s32 $0xFFFFE003, lr  }
0x1b: {  	s9 =	sadd.s32 $0xFFFFFEF7, lr;
	s5 =	simm.s32 $0xFFFFFFFF;
	p2 =	slt.u32 s8, $0xFFFFF086  }
0x1c: {  	p1 =	slt.u32 s9, $0xF7A;
	s5 =	simm.s32 @!p2 $0x0  }
0x1d: {  	s5 =	simm.s32 @p1 $0x1;
	p0 =	seq.s32 s7, s2  }
0x1e: {  	s7 =	smul.u32 @!p0 $0xF7A, s2;
	p2 =	seq.s32 @!p0 s5, $0x0  }
0x1f: {  	s9 =	smul.u32 $0xF7A, s1;
	s8 =	simm.s32 @!p0 $0x1BF5;
	p2 =	por !p2, p0  }
0x20: {  	[sflag:s8] =	ssyncset.s32 @!p0 $0xFFFFF086;
	s6 =	sadd.s32 @!p0 s3, s7;
	s7 =	simm.s32 @!p0 $0x108  }
0x21: {  	s3 =	sadd.s32 s3, s9;
	s6 =	sadd.s32 @!p0 $0x88, s6;
	s7 =	simm.s32 @p2 $0x1082  }
0x22: {  	[simem:s7], [sflag:s8] =	dma.local @!p0 [hbm:s6], $0xF7A  }
0x23: {  	s9 =	sor.u32 $0xD0000000, s2;
	s6 =	simm.s32 $0x108;
	_ =	swait.ge @!p0 [sflag:s8], $0x0  }
0x24: {  	s3 =	sadd.s32 $0x88, s3;
	s6 =	simm.s32 @!p1 $0x1082;
	[sflag:s4] =	ssyncset.s32 $0xFFFFF086  }
0x25: {  	[simem:s6], [sflag:s4] =	dma.local [hbm:s3], $0xF7A  }
0x26: {  	[smem:$0x3F8F] =	sst s1;
	(tag) =	ssettag s2;
	_ =	strace s9  }
0x27: {  	s1 =	sld [smem:$0x3F9F]  }
0x28: {  	s2 =	sld [smem:$0x3FA0]  }
0x29: {  	s4 =	sld [smem:$0x3FA2]  }
0x2a: {  	p0 =	seq.s32 s5, $0x0;
	s5 =	sld [smem:$0x3FA3]  }
0x2b: {  	s6 =	sld [smem:$0x3FA4]  }
0x2c: {  	s7 =	sld [smem:$0x3FA5]  }
0x2d: {  	s3 =	simm.s32 $0x108;
	s8 =	sld [smem:$0x3FA6]  }
0x2e: {  	s3 =	simm.s32 @!p0 $0x1082;
	s9 =	sld [smem:$0x3FA7]  }
0x2f: {  	lr =	sadd.s32 s0, s3;
	s0 =	sld [smem:$0x3F9E]  }
0x30: {  	s3 =	sld [smem:$0x3FA1]  }
0x31: {  	[smem:$0x3FAA] =	sst s10  }
0x32: {  	s10 =	sld [smem:$0x3FA8];
	_ =	sdelay $0x3  }
0x33: {  	p0 =	seq.s32 s10, $0x1;
	s10 =	sld [smem:$0x3FAA];
	_ =	sdelay $0x3  }
0x34: {  	[smem:$0x3FAA] =	sst s10  }
0x35: {  	s10 =	sld [smem:$0x3FA9];
	_ =	sdelay $0x3  }
0x36: {  	p1 =	seq.s32 s10, $0x1;
	s10 =	sld [smem:$0x3FAA];
	_ =	sdelay $0x3  }
0x37: {  	[smem:$0x3FAA] =	sst s10  }
0x38: {  	s10 =	sld [smem:$0x3FAB]  }
0x39: {  	_ = 	snop;
	(pc) =	sbr.ind lr, $3  }
0x3a: {  	_ = 	snop  }
0x3b: {  	_ = 	snop  }
0x3c: {  	p2 =	seq.s32 s10, $0x1;
	s10 =	sld [smem:$0x3FAA]  }
0x3d: {  	_ =	shalt  }
0x3e: {  	_ =	shalt  }
0x3f: {  	_ =	shalt  }
0x40: {  	_ =	shalt  }
0x41: {  	_ =	shalt  }
0x42: {  	_ =	shalt  }
0x43: {  	_ =	shalt  }
0x44: {  	_ =	shalt  }
0x45: {  	_ =	shalt  }
0x46: {  	_ =	shalt  }
0x47: {  	_ =	shalt  }
0x48: {  	_ =	shalt  }
0x49: {  	_ =	shalt  }
0x4a: {  	_ =	shalt  }
0x4b: {  	_ =	shalt  }
0x4c: {  	_ =	shalt  }
0x4d: {  	_ =	shalt  }
0x4e: {  	_ =	shalt  }
0x4f: {  	_ =	shalt  }
0x50: {  	_ =	shalt  }
0x51: {  	_ =	shalt  }
0x52: {  	_ =	shalt  }
0x53: {  	_ =	shalt  }
0x54: {  	_ =	shalt  }
0x55: {  	_ =	shalt  }
0x56: {  	_ =	shalt  }
0x57: {  	_ =	shalt  }
0x58: {  	_ =	shalt  }
0x59: {  	_ =	shalt  }
0x5a: {  	_ =	shalt  }
0x5b: {  	_ =	shalt  }
0x5c: {  	_ =	shalt  }
0x5d: {  	_ =	shalt  }
0x5e: {  	_ =	shalt  }
0x5f: {  	_ =	shalt  }
0x60: {  	_ =	shalt  }
0x61: {  	_ =	shalt  }
0x62: {  	_ =	shalt  }
0x63: {  	_ =	shalt  }
0x64: {  	_ =	shalt  }
0x65: {  	_ =	shalt  }
0x66: {  	_ =	shalt  }
0x67: {  	_ =	shalt  }
0x68: {  	_ =	shalt  }
0x69: {  	_ =	shalt  }
0x6a: {  	_ =	shalt  }
0x6b: {  	_ =	shalt  }
0x6c: {  	_ =	shalt  }
0x6d: {  	_ =	shalt  }
0x6e: {  	_ =	shalt  }
0x6f: {  	_ =	shalt  }
0x70: {  	_ =	shalt  }
0x71: {  	_ =	shalt  }
0x72: {  	_ =	shalt  }
0x73: {  	_ =	shalt  }
0x74: {  	_ =	shalt  }
0x75: {  	_ =	shalt  }
0x76: {  	_ =	shalt  }
0x77: {  	_ =	shalt  }
0x78: {  	_ =	shalt  }
0x79: {  	_ =	shalt  }
0x7a: {  	_ =	shalt  }
0x7b: {  	_ =	shalt  }
0x7c: {  	_ =	shalt  }
0x7d: {  	_ =	shalt  }
0x7e: {  	_ =	shalt  }
0x7f: {  	_ =	shalt  }
0x80: {  	_ =	shalt  }
0x81: {  	_ =	shalt  }
0x82: {  	_ =	shalt  }
0x83: {  	_ =	shalt  }
0x84: {  	_ =	shalt  }
0x85: {  	_ =	shalt  }
0x86: {  	_ =	shalt  }
0x87: {  	_ =	shalt  }
.Lfunc_end0:
.L_simem_size_0:
called_computation.1_lowered:
.L_overlay_start_0:
0x88: {  	s2 =	sld [smem:$0x3FD9]  }
0x89: {  	s3 =	sld [smem:$0x3FFE];
	_ =	sdelay $0x1  }
0x8a: {  	s1 =	srdreg.scid  }
0x8b: {  	s0 =	sand.u32 $0x1, s1  }
0x8c: {  	s16 =	sshll.u32 s0, $0xA;
	s2 =	sadd.s32 s3, s2  }
0x8d: {  	s2 =	sadd.s32 s2, s16  }
0x8e: {  	[smem:$0x3FB6] =	sst s2  }
0x8f: {  	_ = 	snop  }
0x90: {  	(tm) =	ssettm $0x1  }
0x91: {  	s17 =	sld [smem:$0x3FFB];
	_ =	sdelay $0x3  }
0x92: {  	_ =	strace s17  }
0x93: {  	s2 =	sld [smem:$0x3FFC];
	_ =	sdelay $0x3  }
0x94: {  	_ =	strace s2  }
0x95: {  	s2 =	sld [smem:$0x3FFD];
	_ =	sdelay $0x3  }
0x96: {  	_ =	strace s2  }
0x97: {  	_ =	strace $0x8FFFFFFF  }
0x98: {  	s18 =	sld [smem:$0x3FDB];
	_ =	sdelay $0x1  }
0x99: {  	s19 =	simm.s32 $_scs_section_size  }
0x9a: {  	s4 =	simm.s32 $_size__tile_overlayer_lowered;
	s5 =	simm.s32 $_tile_overlayer_lowered  }
0x9b: {  	s22 =	simm.s32 $0x1BFF;
	s21 =	sshll.u32 s5, $0x1;
	s2 =	sadd.s32 s19, s18  }
0x9c: {  	s6 =	simm.s32 $0x0;
	s20 =	sshll.u32 s4, $0x1;
	s4 =	sadd.s32 s21, s2  }
0x9d: {  	[timem:s6], [sflag:s22] =	dma.local [hbm:s4], s20  }
0x9e: {  	_ =	swait.ge [sflag:s22], s20  }
0x9f: {  	s3 =	ssub.s32 $0x0, s20;
	[sflag:s22] =	ssyncset.done $0x0  }
0xa0: {  	[sflag:s22] =	ssyncadd.s32 s3;
	_ =	sdelay $0x1  }
0xa1: {  	s23 =	simm.s32 $0x1B8B  }
0xa2: {  	_ =	swait.ge [sflag:s23], $0x1  }
0xa3: {  	[sflag:s23] =	ssyncset.done $0x0  }
0xa4: {  	s25 =	simm.s32 $0x1B8E;
	s24 =	sld [smem:$0x3FFE];
	[sflag:s23] =	ssyncadd.s32 $0xFFFFFFFF  }
0xa5: {  	s26 =	simm.s32 $execute0_lowered;
	[smem:$0x3FD2] =	sst s25  }
0xa6: {  	s4 =	sshll.u32 s26, $0x1;
	_ =	strace $0x80000049;
	[dreg:$0x1] =	wrdreg $0xFFFFFFFF  }
0xa7: {  	s28 =	simm.s32 $_size_execute0_lowered;
	s2 =	sadd.s32 s2, s4;
	[dreg:$0x0] =	wrdreg $0x0  }
0xa8: {  	s4 =	sshll.u32 s28, $0x1;
	[dreg:$0x2] =	wrdreg s2  }
0xa9: {  	[dreg:$0x3] =	wrdreg s4  }
0xaa: {  	[dreg:$0x4] =	wrdreg $0xC0  }
0xab: {  	_ =	task [dreg:s6], $0x5FFFF  }
0xac: {  	[dreg:$0x1] =	wrdreg $0xFFFFFFFF  }
0xad: {  	[dreg:$0x0] =	wrdreg $0x60  }
0xae: {  	[dreg:$0x2] =	wrdreg s24  }
0xaf: {  	[dreg:$0x3] =	wrdreg $0x90000  }
0xb0: {  	[dreg:$0x4] =	wrdreg $0x9  }
0xb1: {  	_ =	task.clear_ibuf [dreg:s6], $0x5FFFF;
	_ =	strace $0x90000049  }
0xb2: {  	s29 =	simm.s32 $0x9;
	_ =	strace $0x8000004B  }
0xb3: {  	_ =	swait.ge [sflag:s29], $0x1  }
0xb4: {  	[sflag:s29] =	ssyncadd.s32 $0xFFFFFFFF  }
0xb5: {  	_ =	strace $0x9000004B  }
0xb6: {  	_ =	sfence  }
0xb7: {  	s30 =	sld [smem:$0x0];
	_ =	sdelay $0x2  }
0xb8: {  	s31 =	sshll.u32 s1, $0xD;
	s1 =	sshrl.u32 s1, $0x2  }
0xb9: {  	s3 =	sand.u32 $0x4000, s31;
	s1 =	sadd.s32 s1, s30  }
0xba: {  	s0 =	sor.u32 s3, s0;
	s1 =	sshll.u32 s1, $0x11  }
0xbb: {  	s0 =	sor.u32 s1, s0  }
0xbc: {  	s0 =	sadd.s32 $0x8F2B, s0  }
0xbd: {  	[sflag:s0] =	ssyncadd.remote.s32 $0x1  }
0xbe: {  	_ =	sfence.sel $0xFFFF  }
0xbf: {  	[dreg:$0x0] =	wrdreg $0xFFFFFFFF;
	(pc) =	sbr.abs _section_cstart, $3  }
0xc0: {  	[dreg:$0x1] =	wrdreg $0xFFFFFFFF  }
0xc1: {  	_ =	task.clear_ibuf [dreg:s6], $0x2FFFF;
	_ =	strace $0x9FFFFFFF  }
0xc2: {  	(tm) =	ssettm $0x7FFFFFFF  }
0xc3: {  	_ =	shalt  }
tec
execute0_lowered:
.L_overlay_start_1:
0x0: {  	(tag) =	ssettag $0x1  }
0x1: {  	s1 =	srdreg.scid  }
0x2: {  	s0 =	stileid.u32;
	s6 =	rddreg [dreg:$0x0]  }
0x3: {  	s7 =	rddreg [dreg:$0x1];
	s2 =	simm.s32 $0x0;
	s12 =	simm.s32 $0x2800  }
0x4: {  	s13 =	simm.s32 $0x80;
	s14 =	simm.s32 $0x5000;
	s15 =	simm.s32 $0x1  }
0x5: {  	s16 =	simm.s32 $0x0;
	s5 =	sand.u32 $0x1, s1;
	s8 =	smul.u32 $0x13C00, s0  }
0x6: {  	s29 =	sshll.u32 s0, $0x1;
	[smem:$0x7FF] =	sst s2;
	s10 =	smul.u32 $0x4F000, s0  }
0x7: {  	s31 =	sshll.u32 s0, $0x6;
	s1 =	sor.u32 s5, s29;
	s4 =	smul.u32 $0x13C000, s5  }
0x8: {  	s5 =	ssub.s32 $0x2, s5;
	s3 =	smul.u32 $0x500, s1;
	s1 =	rddreg [dreg:$0x2]  }
0x9: {  	_ =	strace $0x8000004A;
	s30 =	sshrl.u32 s5, $0x1;
	s10 =	sshrl.u32 s10, $0x2  }
0xa: {  	s8 =	sadd.s32 s8, s4;
	s4 =	sadd.s32 $0x40C00, s6;
	s11 =	ssub.s32 s5, s30  }
0xb: {  	s10 =	sadd.s32 s10, s7;
	s5 =	sor.u32 $0x1C02, s31;
	s9 =	sadd.s32 s3, s6  }
0xc: {  	s3 =	sadd.s32 $0x19A00, s6;
	s8 =	sshrl.u32 s8, $0x3;
	s10 =	sshrl.u32 s10, $0x3  }
0xd: {  	s8 =	sadd.s32 s8, s6;
	s6 =	sadd.s32 $0x5A00, s9;
	s7 =	sadd.s32 $0xFA00, s9  }
0xe: {  	s9 =	smax.u32 s11, $0x1;
	s11 =	simm.s32 $0x2;
	s8 =	sadd.s32 $0x43400, s8  }
.LBB2_1:
0xf: {  	[spmem:s10], [sflag:s5] =	dma.local [hbm:s4], $0x2780  }
0x10: {  	_ =	swait.ge [sflag:s11], $0x2780  }
0x11: {  	[sflag:s11] =	ssyncset.done $0x0  }
0x12: {  	[sflag:s11] =	ssyncadd.s32 $0xFFFFD880  }
0x13: {  	[tilespmem:s2], [sflag:$0x2] =	stream.linear.gather [hbm4b:s6+s2], $0x2780, $0x38;
	[tilespmem:$0x1CC00] =	vst v63  }
0x14: {  	_ =	swait.ge [sflag:s11], $0x2780  }
0x15: {  	[sflag:s11] =	ssyncset.done $0x0  }
0x16: {  	[sflag:s11] =	ssyncadd.s32 $0xFFFFD880  }
0x17: {  	[tilespmem:s12], [sflag:$0x2] =	stream.linear.gather [hbm4b:s7+s2], $0x2780, $0x38;
	[tilespmem:$0x1CC00] =	vst v63  }
0x18: {  	_ =	swait.ge [sflag:s11], $0x2780  }
0x19: {  	[sflag:s11] =	ssyncset.done $0x0  }
0x1a: {  	[sflag:s11] =	ssyncadd.s32 $0xFFFFD880  }
0x1b: {  	s17 =	simm.s32 $0x0;
	[bflag:$0x0] =	sbarrier.arrive $0xFFFF  }
0x1c: {  	[tilespmem:s14], [sflag:$0x1] =	stream.indirect.gather [hbm4b:s3+s13], $0x80, s17, s13, $0xb8;
	[tilespmem:$0x1CC00] =	vst v63  }
0x1d: {  	_ =	swait.ge [sflag:s15], $0x4000  }
0x1e: {  	s17 =	simm.s32 $0x200;
	[sflag:s15] =	ssyncset.done $0x0  }
.LBB2_2:
0x1f: {  	s18 =	sshra.s32 s17, $0x2;
	[sflag:s15] =	ssyncadd.s32 $0xFFFFC000;
	p0 =	sne.s32 s17, $0x9C00  }
0x20: {  	[tilespmem:s14], [sflag:$0x1] =	stream.indirect.gather [hbm4b:s3+s13], $0x80, s18, s13, $0xb8;
	[tilespmem:$0x1CC00] =	vst v63  }
.Ltmp0:
0x21: {  	_ = 	snop;
	(pc) =	sbr.rel @p0 .LBB2_2-.Ltmp0, $4  }
0x22: {  	_ = 	snop  }
0x23: {  	s17 =	sadd.s32 $0x200, s17  }
0x24: {  	_ =	swait.ge [sflag:s15], $0x4000  }
0x25: {  	[sflag:s15] =	ssyncset.done $0x0  }
0x26: {  	s16 =	sadd.s32 $0x1, s16  }
0x27: {  	[sflag:s15] =	ssyncadd.s32 $0xFFFFC000;
	p0 =	sne.s32 s16, s9  }
.Ltmp1:
0x28: {  	[bflag:$0x0] =	sbarrier.arrive $0xFFFF;
	(pc) =	sbr.rel @p0 .LBB2_1-.Ltmp1, $4  }
0x29: {  	[hbm:s8], [sflag:s5] =	dma.local [spmem:s10], $0x2780  }
0x2a: {  	_ =	swait.ge [sflag:s11], $0x2780  }
0x2b: {  	[sflag:s11] =	ssyncset.done $0x0  }
0x2c: {  	[sflag:s11] =	ssyncadd.s32 $0xFFFFD880  }
0x2d: {  	_ =	sfence.sel $0x180000  }
0x2e: {  	[bflag:$0x0] =	sbarrier.arrive $0xFFFF  }
0x2f: {  	p0 =	sne.s32 s0, $0x0;
	_ =	strace $0x9000004A  }
0x30: {  	s0 =	sadd.s32 @!p0 $0x100000, s1;
	[bflag:$0x2] =	sbarrier.arrive $0xFFFF  }
0x31: {  	[sflag:s0] =	ssyncadd.tile.s32 @!p0 $0x1;
	_ =	shalt  }
.Lfunc_end2:
_tile_overlayer_lowered:
.L_overlay_start_2:
0x32: {  	(tag) =	ssettag $0x2  }
0x33: {  	s0 =	rddreg [dreg:$0x0];
	s2 =	stileid.u32  }
0x34: {  	s1 =	rddreg [dreg:$0x1];
	p0 =	sne.s32 s2, $0x0  }
0x35: {  	s3 =	rddreg [dreg:$0x2];
	[bflag:$0x3] =	sbarrier.arrive $0xFFFF;
	s2 =	simm.s32 @!p0 $0x1C02  }
0x36: {  	[timem:s3], [sflag:s2] =	dma.local @!p0 [hbm:s0], s1  }
0x37: {  	s0 =	simm.s32 @!p0 $0x2  }
0x38: {  	_ =	swait.ge @!p0 [sflag:s0], s1  }
0x39: {  	s1 =	ssub.s32 @!p0 $0x0, s1;
	[sflag:s0] =	ssyncset.done @!p0 $0x0  }
0x3a: {  	[sflag:s0] =	ssyncadd.s32 @!p0 s1  }
0x3b: {  	[bflag:$0x3] =	sbarrier.arrive $0xFFFF  }
0x3c: {  	_ =	shalt  }

// kernel: kernel.20.cloned.1.call-start
scs
__scs_entry_jumppad:
0x0: {  	(pc) =	sbr.rel $0x88, $3  }
0x1: {  	(tag) =	ssettag $0x0;
	lr =	simm.s32 $0x1  }
0x2: {  	[smem:$0x3F8F] =	sst lr;
	_ =	strace $0xD0000000  }
0x3: {  	_ = 	snop  }
0x4: {  	_ = 	snop  }
0x5: {  	_ = 	snop  }
0x6: {  	_ = 	snop  }
0x7: {  	_ = 	snop  }
__scs_overlays_trampoline_lowered:
0x8: {  	[smem:$0x3F9E] =	sst s0  }
0x9: {  	[smem:$0x3F9F] =	sst s1  }
0xa: {  	[smem:$0x3FA0] =	sst s2  }
0xb: {  	[smem:$0x3FA1] =	sst s3  }
0xc: {  	[smem:$0x3FA2] =	sst s4  }
0xd: {  	[smem:$0x3FA3] =	sst s5  }
0xe: {  	[smem:$0x3FA4] =	sst s6  }
0xf: {  	[smem:$0x3FA5] =	sst s7  }
0x10: {  	[smem:$0x3FA6] =	sst s8  }
0x11: {  	[smem:$0x3FA7] =	sst s9;
	s0 =	simm.s32 @!p0 $0x0  }
0x12: {  	s1 =	sld [smem:$0x3F8D];
	s0 =	simm.s32 @p0 $0x1  }
0x13: {  	[smem:$0x3FA8] =	sst s0;
	s0 =	simm.s32 @!p1 $0x0  }
0x14: {  	s2 =	sld [smem:$0x3F8C];
	s0 =	simm.s32 @p1 $0x1  }
0x15: {  	[smem:$0x3FA9] =	sst s0;
	s0 =	simm.s32 @!p2 $0x0  }
0x16: {  	s3 =	sld [smem:$0x3FDB];
	s0 =	simm.s32 @p2 $0x1  }
0x17: {  	s4 =	simm.s32 $0x1BF5;
	[smem:$0x3FAB] =	sst s0  }
0x18: {  	s0 =	sld [smem:$0x3F8E];
	_ =	swait.ge [sflag:s4], $0x0  }
0x19: {  	s7 =	sld [smem:$0x3F8F]  }
0x1a: {  	s8 =	sadd.s32 $0xFFFFE003, lr  }
0x1b: {  	s9 =	sadd.s32 $0xFFFFFEF7, lr;
	s5 =	simm.s32 $0xFFFFFFFF;
	p2 =	slt.u32 s8, $0xFFFFF086  }
0x1c: {  	p1 =	slt.u32 s9, $0xF7A;
	s5 =	simm.s32 @!p2 $0x0  }
0x1d: {  	s5 =	simm.s32 @p1 $0x1;
	p0 =	seq.s32 s7, s2  }
0x1e: {  	s7 =	smul.u32 @!p0 $0xF7A, s2;
	p2 =	seq.s32 @!p0 s5, $0x0  }
0x1f: {  	s9 =	smul.u32 $0xF7A, s1;
	s8 =	simm.s32 @!p0 $0x1BF5;
	p2 =	por !p2, p0  }
0x20: {  	[sflag:s8] =	ssyncset.s32 @!p0 $0xFFFFF086;
	s6 =	sadd.s32 @!p0 s3, s7;
	s7 =	simm.s32 @!p0 $0x108  }
0x21: {  	s3 =	sadd.s32 s3, s9;
	s6 =	sadd.s32 @!p0 $0x88, s6;
	s7 =	simm.s32 @p2 $0x1082  }
0x22: {  	[simem:s7], [sflag:s8] =	dma.local @!p0 [hbm:s6], $0xF7A  }
0x23: {  	s9 =	sor.u32 $0xD0000000, s2;
	s6 =	simm.s32 $0x108;
	_ =	swait.ge @!p0 [sflag:s8], $0x0  }
0x24: {  	s3 =	sadd.s32 $0x88, s3;
	s6 =	simm.s32 @!p1 $0x1082;
	[sflag:s4] =	ssyncset.s32 $0xFFFFF086  }
0x25: {  	[simem:s6], [sflag:s4] =	dma.local [hbm:s3], $0xF7A  }
0x26: {  	[smem:$0x3F8F] =	sst s1;
	(tag) =	ssettag s2;
	_ =	strace s9  }
0x27: {  	s1 =	sld [smem:$0x3F9F]  }
0x28: {  	s2 =	sld [smem:$0x3FA0]  }
0x29: {  	s4 =	sld [smem:$0x3FA2]  }
0x2a: {  	p0 =	seq.s32 s5, $0x0;
	s5 =	sld [smem:$0x3FA3]  }
0x2b: {  	s6 =	sld [smem:$0x3FA4]  }
0x2c: {  	s7 =	sld [smem:$0x3FA5]  }
0x2d: {  	s3 =	simm.s32 $0x108;
	s8 =	sld [smem:$0x3FA6]  }
0x2e: {  	s3 =	simm.s32 @!p0 $0x1082;
	s9 =	sld [smem:$0x3FA7]  }
0x2f: {  	lr =	sadd.s32 s0, s3;
	s0 =	sld [smem:$0x3F9E]  }
0x30: {  	s3 =	sld [smem:$0x3FA1]  }
0x31: {  	[smem:$0x3FAA] =	sst s10  }
0x32: {  	s10 =	sld [smem:$0x3FA8];
	_ =	sdelay $0x3  }
0x33: {  	p0 =	seq.s32 s10, $0x1;
	s10 =	sld [smem:$0x3FAA];
	_ =	sdelay $0x3  }
0x34: {  	[smem:$0x3FAA] =	sst s10  }
0x35: {  	s10 =	sld [smem:$0x3FA9];
	_ =	sdelay $0x3  }
0x36: {  	p1 =	seq.s32 s10, $0x1;
	s10 =	sld [smem:$0x3FAA];
	_ =	sdelay $0x3  }
0x37: {  	[smem:$0x3FAA] =	sst s10  }
0x38: {  	s10 =	sld [smem:$0x3FAB]  }
0x39: {  	_ = 	snop;
	(pc) =	sbr.ind lr, $3  }
0x3a: {  	_ = 	snop  }
0x3b: {  	_ = 	snop  }
0x3c: {  	p2 =	seq.s32 s10, $0x1;
	s10 =	sld [smem:$0x3FAA]  }
0x3d: {  	_ =	shalt  }
0x3e: {  	_ =	shalt  }
0x3f: {  	_ =	shalt  }
0x40: {  	_ =	shalt  }
0x41: {  	_ =	shalt  }
0x42: {  	_ =	shalt  }
0x43: {  	_ =	shalt  }
0x44: {  	_ =	shalt  }
0x45: {  	_ =	shalt  }
0x46: {  	_ =	shalt  }
0x47: {  	_ =	shalt  }
0x48: {  	_ =	shalt  }
0x49: {  	_ =	shalt  }
0x4a: {  	_ =	shalt  }
0x4b: {  	_ =	shalt  }
0x4c: {  	_ =	shalt  }
0x4d: {  	_ =	shalt  }
0x4e: {  	_ =	shalt  }
0x4f: {  	_ =	shalt  }
0x50: {  	_ =	shalt  }
0x51: {  	_ =	shalt  }
0x52: {  	_ =	shalt  }
0x53: {  	_ =	shalt  }
0x54: {  	_ =	shalt  }
0x55: {  	_ =	shalt  }
0x56: {  	_ =	shalt  }
0x57: {  	_ =	shalt  }
0x58: {  	_ =	shalt  }
0x59: {  	_ =	shalt  }
0x5a: {  	_ =	shalt  }
0x5b: {  	_ =	shalt  }
0x5c: {  	_ =	shalt  }
0x5d: {  	_ =	shalt  }
0x5e: {  	_ =	shalt  }
0x5f: {  	_ =	shalt  }
0x60: {  	_ =	shalt  }
0x61: {  	_ =	shalt  }
0x62: {  	_ =	shalt  }
0x63: {  	_ =	shalt  }
0x64: {  	_ =	shalt  }
0x65: {  	_ =	shalt  }
0x66: {  	_ =	shalt  }
0x67: {  	_ =	shalt  }
0x68: {  	_ =	shalt  }
0x69: {  	_ =	shalt  }
0x6a: {  	_ =	shalt  }
0x6b: {  	_ =	shalt  }
0x6c: {  	_ =	shalt  }
0x6d: {  	_ =	shalt  }
0x6e: {  	_ =	shalt  }
0x6f: {  	_ =	shalt  }
0x70: {  	_ =	shalt  }
0x71: {  	_ =	shalt  }
0x72: {  	_ =	shalt  }
0x73: {  	_ =	shalt  }
0x74: {  	_ =	shalt  }
0x75: {  	_ =	shalt  }
0x76: {  	_ =	shalt  }
0x77: {  	_ =	shalt  }
0x78: {  	_ =	shalt  }
0x79: {  	_ =	shalt  }
0x7a: {  	_ =	shalt  }
0x7b: {  	_ =	shalt  }
0x7c: {  	_ =	shalt  }
0x7d: {  	_ =	shalt  }
0x7e: {  	_ =	shalt  }
0x7f: {  	_ =	shalt  }
0x80: {  	_ =	shalt  }
0x81: {  	_ =	shalt  }
0x82: {  	_ =	shalt  }
0x83: {  	_ =	shalt  }
0x84: {  	_ =	shalt  }
0x85: {  	_ =	shalt  }
0x86: {  	_ =	shalt  }
0x87: {  	_ =	shalt  }
.Lfunc_end0:
.L_simem_size_0:
called_computation.2_lowered:
.L_overlay_start_0:
0x88: {  	s2 =	sld [smem:$0x3FD9]  }
0x89: {  	s3 =	sld [smem:$0x3FFE];
	_ =	sdelay $0x1  }
0x8a: {  	s1 =	srdreg.scid  }
0x8b: {  	s0 =	sand.u32 $0x1, s1  }
0x8c: {  	s16 =	sshll.u32 s0, $0xA;
	s2 =	sadd.s32 s3, s2  }
0x8d: {  	s2 =	sadd.s32 s2, s16  }
0x8e: {  	[smem:$0x3FB6] =	sst s2  }
0x8f: {  	_ = 	snop  }
0x90: {  	(tm) =	ssettm $0x1  }
0x91: {  	s17 =	sld [smem:$0x3FFB];
	_ =	sdelay $0x3  }
0x92: {  	_ =	strace s17  }
0x93: {  	s2 =	sld [smem:$0x3FFC];
	_ =	sdelay $0x3  }
0x94: {  	_ =	strace s2  }
0x95: {  	s2 =	sld [smem:$0x3FFD];
	_ =	sdelay $0x3  }
0x96: {  	_ =	strace s2  }
0x97: {  	_ =	strace $0x8FFFFFFF  }
0x98: {  	s18 =	sld [smem:$0x3FDB];
	_ =	sdelay $0x1  }
0x99: {  	s19 =	simm.s32 $_scs_section_size  }
0x9a: {  	s4 =	simm.s32 $_size__tile_overlayer_lowered;
	s5 =	simm.s32 $_tile_overlayer_lowered  }
0x9b: {  	s22 =	simm.s32 $0x1BFF;
	s21 =	sshll.u32 s5, $0x1;
	s2 =	sadd.s32 s19, s18  }
0x9c: {  	s6 =	simm.s32 $0x0;
	s20 =	sshll.u32 s4, $0x1;
	s4 =	sadd.s32 s21, s2  }
0x9d: {  	[timem:s6], [sflag:s22] =	dma.local [hbm:s4], s20  }
0x9e: {  	_ =	swait.ge [sflag:s22], s20  }
0x9f: {  	s3 =	ssub.s32 $0x0, s20;
	[sflag:s22] =	ssyncset.done $0x0  }
0xa0: {  	[sflag:s22] =	ssyncadd.s32 s3;
	_ =	sdelay $0x1  }
0xa1: {  	s23 =	simm.s32 $0x1B8B  }
0xa2: {  	_ =	swait.ge [sflag:s23], $0x1  }
0xa3: {  	[sflag:s23] =	ssyncset.done $0x0  }
0xa4: {  	s25 =	simm.s32 $0x1B8E;
	s24 =	sld [smem:$0x3FFE];
	[sflag:s23] =	ssyncadd.s32 $0xFFFFFFFF  }
0xa5: {  	s26 =	simm.s32 $execute0_lowered;
	[smem:$0x3FD2] =	sst s25  }
0xa6: {  	s4 =	sshll.u32 s26, $0x1;
	_ =	strace $0x8000004C;
	[dreg:$0x1] =	wrdreg $0xFFFFFFFF  }
0xa7: {  	s28 =	simm.s32 $_size_execute0_lowered;
	s2 =	sadd.s32 s2, s4;
	[dreg:$0x0] =	wrdreg $0x0  }
0xa8: {  	s4 =	sshll.u32 s28, $0x1;
	[dreg:$0x2] =	wrdreg s2  }
0xa9: {  	[dreg:$0x3] =	wrdreg s4  }
0xaa: {  	[dreg:$0x4] =	wrdreg $0xC0  }
0xab: {  	_ =	task [dreg:s6], $0x5FFFF  }
0xac: {  	[dreg:$0x1] =	wrdreg $0xFFFFFFFF  }
0xad: {  	[dreg:$0x0] =	wrdreg $0x60  }
0xae: {  	[dreg:$0x2] =	wrdreg s24  }
0xaf: {  	[dreg:$0x3] =	wrdreg $0x90000  }
0xb0: {  	[dreg:$0x4] =	wrdreg $0x9  }
0xb1: {  	_ =	task.clear_ibuf [dreg:s6], $0x5FFFF;
	_ =	strace $0x9000004C  }
0xb2: {  	s29 =	simm.s32 $0x9;
	_ =	strace $0x8000004E  }
0xb3: {  	_ =	swait.ge [sflag:s29], $0x1  }
0xb4: {  	[sflag:s29] =	ssyncadd.s32 $0xFFFFFFFF  }
0xb5: {  	_ =	strace $0x9000004E  }
0xb6: {  	_ =	sfence  }
0xb7: {  	s30 =	sld [smem:$0x0];
	_ =	sdelay $0x2  }
0xb8: {  	s31 =	sshll.u32 s1, $0xD;
	s1 =	sshrl.u32 s1, $0x2  }
0xb9: {  	s3 =	sand.u32 $0x4000, s31;
	s1 =	sadd.s32 s1, s30  }
0xba: {  	s0 =	sor.u32 s3, s0;
	s1 =	sshll.u32 s1, $0x11  }
0xbb: {  	s0 =	sor.u32 s1, s0  }
0xbc: {  	s0 =	sadd.s32 $0x8F2B, s0  }
0xbd: {  	[sflag:s0] =	ssyncadd.remote.s32 $0x1  }
0xbe: {  	_ =	sfence.sel $0xFFFF  }
0xbf: {  	[dreg:$0x0] =	wrdreg $0xFFFFFFFF;
	(pc) =	sbr.abs _section_cstart, $3  }
0xc0: {  	[dreg:$0x1] =	wrdreg $0xFFFFFFFF  }
0xc1: {  	_ =	task.clear_ibuf [dreg:s6], $0x2FFFF;
	_ =	strace $0x9FFFFFFF  }
0xc2: {  	(tm) =	ssettm $0x7FFFFFFF  }
0xc3: {  	_ =	shalt  }
tec
execute0_lowered:
.L_overlay_start_1:
0x0: {  	(tag) =	ssettag $0x1  }
0x1: {  	s1 =	srdreg.scid  }
0x2: {  	s0 =	stileid.u32;
	s6 =	rddreg [dreg:$0x0]  }
0x3: {  	s7 =	rddreg [dreg:$0x1];
	s2 =	simm.s32 $0x0;
	s12 =	simm.s32 $0x2800  }
0x4: {  	s13 =	simm.s32 $0x80;
	s14 =	simm.s32 $0x5000;
	s15 =	simm.s32 $0x1  }
0x5: {  	s16 =	simm.s32 $0x0;
	s5 =	sand.u32 $0x1, s1;
	s8 =	smul.u32 $0x13C00, s0  }
0x6: {  	s29 =	sshll.u32 s0, $0x1;
	[smem:$0x7FF] =	sst s2;
	s10 =	smul.u32 $0x4F000, s0  }
0x7: {  	s31 =	sshll.u32 s0, $0x6;
	s1 =	sor.u32 s5, s29;
	s4 =	smul.u32 $0x13C000, s5  }
0x8: {  	s5 =	ssub.s32 $0x2, s5;
	s3 =	smul.u32 $0x500, s1;
	s1 =	rddreg [dreg:$0x2]  }
0x9: {  	_ =	strace $0x8000004D;
	s30 =	sshrl.u32 s5, $0x1;
	s10 =	sshrl.u32 s10, $0x2  }
0xa: {  	s8 =	sadd.s32 s8, s4;
	s4 =	sadd.s32 $0x40C00, s6;
	s11 =	ssub.s32 s5, s30  }
0xb: {  	s10 =	sadd.s32 s10, s7;
	s5 =	sor.u32 $0x1C02, s31;
	s9 =	sadd.s32 s3, s6  }
0xc: {  	s3 =	sadd.s32 $0x19A00, s6;
	s8 =	sshrl.u32 s8, $0x3;
	s10 =	sshrl.u32 s10, $0x3  }
0xd: {  	s8 =	sadd.s32 s8, s6;
	s6 =	sadd.s32 $0x5A00, s9;
	s7 =	sadd.s32 $0xFA00, s9  }
0xe: {  	s9 =	smax.u32 s11, $0x1;
	s11 =	simm.s32 $0x2;
	s8 =	sadd.s32 $0x43400, s8  }
.LBB2_1:
0xf: {  	[spmem:s10], [sflag:s5] =	dma.local [hbm:s4], $0x2780  }
0x10: {  	_ =	swait.ge [sflag:s11], $0x2780  }
0x11: {  	[sflag:s11] =	ssyncset.done $0x0  }
0x12: {  	[sflag:s11] =	ssyncadd.s32 $0xFFFFD880  }
0x13: {  	[tilespmem:s2], [sflag:$0x2] =	stream.linear.gather [hbm4b:s6+s2], $0x2780, $0x38;
	[tilespmem:$0x1CC00] =	vst v63  }
0x14: {  	_ =	swait.ge [sflag:s11], $0x2780  }
0x15: {  	[sflag:s11] =	ssyncset.done $0x0  }
0x16: {  	[sflag:s11] =	ssyncadd.s32 $0xFFFFD880  }
0x17: {  	[tilespmem:s12], [sflag:$0x2] =	stream.linear.gather [hbm4b:s7+s2], $0x2780, $0x38;
	[tilespmem:$0x1CC00] =	vst v63  }
0x18: {  	_ =	swait.ge [sflag:s11], $0x2780  }
0x19: {  	[sflag:s11] =	ssyncset.done $0x0  }
0x1a: {  	[sflag:s11] =	ssyncadd.s32 $0xFFFFD880  }
0x1b: {  	s17 =	simm.s32 $0x0;
	[bflag:$0x0] =	sbarrier.arrive $0xFFFF  }
0x1c: {  	[tilespmem:s14], [sflag:$0x1] =	stream.indirect.gather [hbm4b:s3+s13], $0x80, s17, s13, $0xb8;
	[tilespmem:$0x1CC00] =	vst v63  }
0x1d: {  	_ =	swait.ge [sflag:s15], $0x4000  }
0x1e: {  	s17 =	simm.s32 $0x200;
	[sflag:s15] =	ssyncset.done $0x0  }
.LBB2_2:
0x1f: {  	s18 =	sshra.s32 s17, $0x2;
	[sflag:s15] =	ssyncadd.s32 $0xFFFFC000;
	p0 =	sne.s32 s17, $0x9C00  }
0x20: {  	[tilespmem:s14], [sflag:$0x1] =	stream.indirect.gather [hbm4b:s3+s13], $0x80, s18, s13, $0xb8;
	[tilespmem:$0x1CC00] =	vst v63  }
.Ltmp0:
0x21: {  	_ = 	snop;
	(pc) =	sbr.rel @p0 .LBB2_2-.Ltmp0, $4  }
0x22: {  	_ = 	snop  }
0x23: {  	s17 =	sadd.s32 $0x200, s17  }
0x24: {  	_ =	swait.ge [sflag:s15], $0x4000  }
0x25: {  	[sflag:s15] =	ssyncset.done $0x0  }
0x26: {  	s16 =	sadd.s32 $0x1, s16  }
0x27: {  	[sflag:s15] =	ssyncadd.s32 $0xFFFFC000;
	p0 =	sne.s32 s16, s9  }
.Ltmp1:
0x28: {  	[bflag:$0x0] =	sbarrier.arrive $0xFFFF;
	(pc) =	sbr.rel @p0 .LBB2_1-.Ltmp1, $4  }
0x29: {  	[hbm:s8], [sflag:s5] =	dma.local [spmem:s10], $0x2780  }
0x2a: {  	_ =	swait.ge [sflag:s11], $0x2780  }
0x2b: {  	[sflag:s11] =	ssyncset.done $0x0  }
0x2c: {  	[sflag:s11] =	ssyncadd.s32 $0xFFFFD880  }
0x2d: {  	_ =	sfence.sel $0x180000  }
0x2e: {  	[bflag:$0x0] =	sbarrier.arrive $0xFFFF  }
0x2f: {  	p0 =	sne.s32 s0, $0x0;
	_ =	strace $0x9000004D  }
0x30: {  	s0 =	sadd.s32 @!p0 $0x100000, s1;
	[bflag:$0x2] =	sbarrier.arrive $0xFFFF  }
0x31: {  	[sflag:s0] =	ssyncadd.tile.s32 @!p0 $0x1;
	_ =	shalt  }
.Lfunc_end2:
_tile_overlayer_lowered:
.L_overlay_start_2:
0x32: {  	(tag) =	ssettag $0x2  }
0x33: {  	s0 =	rddreg [dreg:$0x0];
	s2 =	stileid.u32  }
0x34: {  	s1 =	rddreg [dreg:$0x1];
	p0 =	sne.s32 s2, $0x0  }
0x35: {  	s3 =	rddreg [dreg:$0x2];
	[bflag:$0x3] =	sbarrier.arrive $0xFFFF;
	s2 =	simm.s32 @!p0 $0x1C02  }
0x36: {  	[timem:s3], [sflag:s2] =	dma.local @!p0 [hbm:s0], s1  }
0x37: {  	s0 =	simm.s32 @!p0 $0x2  }
0x38: {  	_ =	swait.ge @!p0 [sflag:s0], s1  }
0x39: {  	s1 =	ssub.s32 @!p0 $0x0, s1;
	[sflag:s0] =	ssyncset.done @!p0 $0x0  }
0x3a: {  	[sflag:s0] =	ssyncadd.s32 @!p0 s1  }
0x3b: {  	[bflag:$0x3] =	sbarrier.arrive $0xFFFF  }
0x3c: {  	_ =	shalt  }

// kernel: kernel.23.cloned.1.call-start
scs
__scs_entry_jumppad:
0x0: {  	(pc) =	sbr.rel $0x88, $3  }
0x1: {  	(tag) =	ssettag $0x0;
	lr =	simm.s32 $0x1  }
0x2: {  	[smem:$0x3F8F] =	sst lr;
	_ =	strace $0xD0000000  }
0x3: {  	_ = 	snop  }
0x4: {  	_ = 	snop  }
0x5: {  	_ = 	snop  }
0x6: {  	_ = 	snop  }
0x7: {  	_ = 	snop  }
__scs_overlays_trampoline_lowered:
0x8: {  	[smem:$0x3F9E] =	sst s0  }
0x9: {  	[smem:$0x3F9F] =	sst s1  }
0xa: {  	[smem:$0x3FA0] =	sst s2  }
0xb: {  	[smem:$0x3FA1] =	sst s3  }
0xc: {  	[smem:$0x3FA2] =	sst s4  }
0xd: {  	[smem:$0x3FA3] =	sst s5  }
0xe: {  	[smem:$0x3FA4] =	sst s6  }
0xf: {  	[smem:$0x3FA5] =	sst s7  }
0x10: {  	[smem:$0x3FA6] =	sst s8  }
0x11: {  	[smem:$0x3FA7] =	sst s9;
	s0 =	simm.s32 @!p0 $0x0  }
0x12: {  	s1 =	sld [smem:$0x3F8D];
	s0 =	simm.s32 @p0 $0x1  }
0x13: {  	[smem:$0x3FA8] =	sst s0;
	s0 =	simm.s32 @!p1 $0x0  }
0x14: {  	s2 =	sld [smem:$0x3F8C];
	s0 =	simm.s32 @p1 $0x1  }
0x15: {  	[smem:$0x3FA9] =	sst s0;
	s0 =	simm.s32 @!p2 $0x0  }
0x16: {  	s3 =	sld [smem:$0x3FDB];
	s0 =	simm.s32 @p2 $0x1  }
0x17: {  	s4 =	simm.s32 $0x1BF5;
	[smem:$0x3FAB] =	sst s0  }
0x18: {  	s0 =	sld [smem:$0x3F8E];
	_ =	swait.ge [sflag:s4], $0x0  }
0x19: {  	s7 =	sld [smem:$0x3F8F]  }
0x1a: {  	s8 =	sadd.s32 $0xFFFFE003, lr  }
0x1b: {  	s9 =	sadd.s32 $0xFFFFFEF7, lr;
	s5 =	simm.s32 $0xFFFFFFFF;
	p2 =	slt.u32 s8, $0xFFFFF086  }
0x1c: {  	p1 =	slt.u32 s9, $0xF7A;
	s5 =	simm.s32 @!p2 $0x0  }
0x1d: {  	s5 =	simm.s32 @p1 $0x1;
	p0 =	seq.s32 s7, s2  }
0x1e: {  	s7 =	smul.u32 @!p0 $0xF7A, s2;
	p2 =	seq.s32 @!p0 s5, $0x0  }
0x1f: {  	s9 =	smul.u32 $0xF7A, s1;
	s8 =	simm.s32 @!p0 $0x1BF5;
	p2 =	por !p2, p0  }
0x20: {  	[sflag:s8] =	ssyncset.s32 @!p0 $0xFFFFF086;
	s6 =	sadd.s32 @!p0 s3, s7;
	s7 =	simm.s32 @!p0 $0x108  }
0x21: {  	s3 =	sadd.s32 s3, s9;
	s6 =	sadd.s32 @!p0 $0x88, s6;
	s7 =	simm.s32 @p2 $0x1082  }
0x22: {  	[simem:s7], [sflag:s8] =	dma.local @!p0 [hbm:s6], $0xF7A  }
0x23: {  	s9 =	sor.u32 $0xD0000000, s2;
	s6 =	simm.s32 $0x108;
	_ =	swait.ge @!p0 [sflag:s8], $0x0  }
0x24: {  	s3 =	sadd.s32 $0x88, s3;
	s6 =	simm.s32 @!p1 $0x1082;
	[sflag:s4] =	ssyncset.s32 $0xFFFFF086  }
0x25: {  	[simem:s6], [sflag:s4] =	dma.local [hbm:s3], $0xF7A  }
0x26: {  	[smem:$0x3F8F] =	sst s1;
	(tag) =	ssettag s2;
	_ =	strace s9  }
0x27: {  	s1 =	sld [smem:$0x3F9F]  }
0x28: {  	s2 =	sld [smem:$0x3FA0]  }
0x29: {  	s4 =	sld [smem:$0x3FA2]  }
0x2a: {  	p0 =	seq.s32 s5, $0x0;
	s5 =	sld [smem:$0x3FA3]  }
0x2b: {  	s6 =	sld [smem:$0x3FA4]  }
0x2c: {  	s7 =	sld [smem:$0x3FA5]  }
0x2d: {  	s3 =	simm.s32 $0x108;
	s8 =	sld [smem:$0x3FA6]  }
0x2e: {  	s3 =	simm.s32 @!p0 $0x1082;
	s9 =	sld [smem:$0x3FA7]  }
0x2f: {  	lr =	sadd.s32 s0, s3;
	s0 =	sld [smem:$0x3F9E]  }
0x30: {  	s3 =	sld [smem:$0x3FA1]  }
0x31: {  	[smem:$0x3FAA] =	sst s10  }
0x32: {  	s10 =	sld [smem:$0x3FA8];
	_ =	sdelay $0x3  }
0x33: {  	p0 =	seq.s32 s10, $0x1;
	s10 =	sld [smem:$0x3FAA];
	_ =	sdelay $0x3  }
0x34: {  	[smem:$0x3FAA] =	sst s10  }
0x35: {  	s10 =	sld [smem:$0x3FA9];
	_ =	sdelay $0x3  }
0x36: {  	p1 =	seq.s32 s10, $0x1;
	s10 =	sld [smem:$0x3FAA];
	_ =	sdelay $0x3  }
0x37: {  	[smem:$0x3FAA] =	sst s10  }
0x38: {  	s10 =	sld [smem:$0x3FAB]  }
0x39: {  	_ = 	snop;
	(pc) =	sbr.ind lr, $3  }
0x3a: {  	_ = 	snop  }
0x3b: {  	_ = 	snop  }
0x3c: {  	p2 =	seq.s32 s10, $0x1;
	s10 =	sld [smem:$0x3FAA]  }
0x3d: {  	_ =	shalt  }
0x3e: {  	_ =	shalt  }
0x3f: {  	_ =	shalt  }
0x40: {  	_ =	shalt  }
0x41: {  	_ =	shalt  }
0x42: {  	_ =	shalt  }
0x43: {  	_ =	shalt  }
0x44: {  	_ =	shalt  }
0x45: {  	_ =	shalt  }
0x46: {  	_ =	shalt  }
0x47: {  	_ =	shalt  }
0x48: {  	_ =	shalt  }
0x49: {  	_ =	shalt  }
0x4a: {  	_ =	shalt  }
0x4b: {  	_ =	shalt  }
0x4c: {  	_ =	shalt  }
0x4d: {  	_ =	shalt  }
0x4e: {  	_ =	shalt  }
0x4f: {  	_ =	shalt  }
0x50: {  	_ =	shalt  }
0x51: {  	_ =	shalt  }
0x52: {  	_ =	shalt  }
0x53: {  	_ =	shalt  }
0x54: {  	_ =	shalt  }
0x55: {  	_ =	shalt  }
0x56: {  	_ =	shalt  }
0x57: {  	_ =	shalt  }
0x58: {  	_ =	shalt  }
0x59: {  	_ =	shalt  }
0x5a: {  	_ =	shalt  }
0x5b: {  	_ =	shalt  }
0x5c: {  	_ =	shalt  }
0x5d: {  	_ =	shalt  }
0x5e: {  	_ =	shalt  }
0x5f: {  	_ =	shalt  }
0x60: {  	_ =	shalt  }
0x61: {  	_ =	shalt  }
0x62: {  	_ =	shalt  }
0x63: {  	_ =	shalt  }
0x64: {  	_ =	shalt  }
0x65: {  	_ =	shalt  }
0x66: {  	_ =	shalt  }
0x67: {  	_ =	shalt  }
0x68: {  	_ =	shalt  }
0x69: {  	_ =	shalt  }
0x6a: {  	_ =	shalt  }
0x6b: {  	_ =	shalt  }
0x6c: {  	_ =	shalt  }
0x6d: {  	_ =	shalt  }
0x6e: {  	_ =	shalt  }
0x6f: {  	_ =	shalt  }
0x70: {  	_ =	shalt  }
0x71: {  	_ =	shalt  }
0x72: {  	_ =	shalt  }
0x73: {  	_ =	shalt  }
0x74: {  	_ =	shalt  }
0x75: {  	_ =	shalt  }
0x76: {  	_ =	shalt  }
0x77: {  	_ =	shalt  }
0x78: {  	_ =	shalt  }
0x79: {  	_ =	shalt  }
0x7a: {  	_ =	shalt  }
0x7b: {  	_ =	shalt  }
0x7c: {  	_ =	shalt  }
0x7d: {  	_ =	shalt  }
0x7e: {  	_ =	shalt  }
0x7f: {  	_ =	shalt  }
0x80: {  	_ =	shalt  }
0x81: {  	_ =	shalt  }
0x82: {  	_ =	shalt  }
0x83: {  	_ =	shalt  }
0x84: {  	_ =	shalt  }
0x85: {  	_ =	shalt  }
0x86: {  	_ =	shalt  }
0x87: {  	_ =	shalt  }
.Lfunc_end0:
.L_simem_size_0:
called_computation.3_lowered:
.L_overlay_start_0:
0x88: {  	s2 =	sld [smem:$0x3FD9]  }
0x89: {  	s3 =	sld [smem:$0x3FFE];
	_ =	sdelay $0x1  }
0x8a: {  	s1 =	srdreg.scid  }
0x8b: {  	s0 =	sand.u32 $0x1, s1  }
0x8c: {  	s16 =	sshll.u32 s0, $0xA;
	s2 =	sadd.s32 s3, s2  }
0x8d: {  	s2 =	sadd.s32 s2, s16  }
0x8e: {  	[smem:$0x3FB6] =	sst s2  }
0x8f: {  	_ = 	snop  }
0x90: {  	(tm) =	ssettm $0x1  }
0x91: {  	s17 =	sld [smem:$0x3FFB];
	_ =	sdelay $0x3  }
0x92: {  	_ =	strace s17  }
0x93: {  	s2 =	sld [smem:$0x3FFC];
	_ =	sdelay $0x3  }
0x94: {  	_ =	strace s2  }
0x95: {  	s2 =	sld [smem:$0x3FFD];
	_ =	sdelay $0x3  }
0x96: {  	_ =	strace s2  }
0x97: {  	_ =	strace $0x8FFFFFFF  }
0x98: {  	s18 =	sld [smem:$0x3FDB];
	_ =	sdelay $0x1  }
0x99: {  	s19 =	simm.s32 $_scs_section_size  }
0x9a: {  	s4 =	simm.s32 $_size__tile_overlayer_lowered;
	s5 =	simm.s32 $_tile_overlayer_lowered  }
0x9b: {  	s22 =	simm.s32 $0x1BFF;
	s21 =	sshll.u32 s5, $0x1;
	s2 =	sadd.s32 s19, s18  }
0x9c: {  	s6 =	simm.s32 $0x0;
	s20 =	sshll.u32 s4, $0x1;
	s4 =	sadd.s32 s21, s2  }
0x9d: {  	[timem:s6], [sflag:s22] =	dma.local [hbm:s4], s20  }
0x9e: {  	_ =	swait.ge [sflag:s22], s20  }
0x9f: {  	s3 =	ssub.s32 $0x0, s20;
	[sflag:s22] =	ssyncset.done $0x0  }
0xa0: {  	[sflag:s22] =	ssyncadd.s32 s3;
	_ =	sdelay $0x1  }
0xa1: {  	s23 =	simm.s32 $0x1B8B  }
0xa2: {  	_ =	swait.ge [sflag:s23], $0x1  }
0xa3: {  	[sflag:s23] =	ssyncset.done $0x0  }
0xa4: {  	s25 =	simm.s32 $0x1B8E;
	s24 =	sld [smem:$0x3FFE];
	[sflag:s23] =	ssyncadd.s32 $0xFFFFFFFF  }
0xa5: {  	s26 =	simm.s32 $execute0_lowered;
	[smem:$0x3FD2] =	sst s25  }
0xa6: {  	s4 =	sshll.u32 s26, $0x1;
	_ =	strace $0x8000004F;
	[dreg:$0x1] =	wrdreg $0xFFFFFFFF  }
0xa7: {  	s28 =	simm.s32 $_size_execute0_lowered;
	s2 =	sadd.s32 s2, s4;
	[dreg:$0x0] =	wrdreg $0x0  }
0xa8: {  	s4 =	sshll.u32 s28, $0x1;
	[dreg:$0x2] =	wrdreg s2  }
0xa9: {  	[dreg:$0x3] =	wrdreg s4  }
0xaa: {  	[dreg:$0x4] =	wrdreg $0xC0  }
0xab: {  	_ =	task [dreg:s6], $0x5FFFF  }
0xac: {  	[dreg:$0x1] =	wrdreg $0xFFFFFFFF  }
0xad: {  	[dreg:$0x0] =	wrdreg $0x60  }
0xae: {  	[dreg:$0x2] =	wrdreg s24  }
0xaf: {  	[dreg:$0x3] =	wrdreg $0x90000  }
0xb0: {  	[dreg:$0x4] =	wrdreg $0x9  }
0xb1: {  	_ =	task.clear_ibuf [dreg:s6], $0x5FFFF;
	_ =	strace $0x9000004F  }
0xb2: {  	s29 =	simm.s32 $0x9;
	_ =	strace $0x80000051  }
0xb3: {  	_ =	swait.ge [sflag:s29], $0x1  }
0xb4: {  	[sflag:s29] =	ssyncadd.s32 $0xFFFFFFFF  }
0xb5: {  	_ =	strace $0x90000051  }
0xb6: {  	_ =	sfence  }
0xb7: {  	s30 =	sld [smem:$0x0];
	_ =	sdelay $0x2  }
0xb8: {  	s31 =	sshll.u32 s1, $0xD;
	s1 =	sshrl.u32 s1, $0x2  }
0xb9: {  	s3 =	sand.u32 $0x4000, s31;
	s1 =	sadd.s32 s1, s30  }
0xba: {  	s0 =	sor.u32 s3, s0;
	s1 =	sshll.u32 s1, $0x11  }
0xbb: {  	s0 =	sor.u32 s1, s0  }
0xbc: {  	s0 =	sadd.s32 $0x8F2B, s0  }
0xbd: {  	[sflag:s0] =	ssyncadd.remote.s32 $0x1  }
0xbe: {  	_ =	sfence.sel $0xFFFF  }
0xbf: {  	[dreg:$0x0] =	wrdreg $0xFFFFFFFF;
	(pc) =	sbr.abs _section_cstart, $3  }
0xc0: {  	[dreg:$0x1] =	wrdreg $0xFFFFFFFF  }
0xc1: {  	_ =	task.clear_ibuf [dreg:s6], $0x2FFFF;
	_ =	strace $0x9FFFFFFF  }
0xc2: {  	(tm) =	ssettm $0x7FFFFFFF  }
0xc3: {  	_ =	shalt  }
tec
execute0_lowered:
.L_overlay_start_1:
0x0: {  	(tag) =	ssettag $0x1  }
0x1: {  	s1 =	srdreg.scid  }
0x2: {  	s0 =	stileid.u32;
	s6 =	rddreg [dreg:$0x0]  }
0x3: {  	s7 =	rddreg [dreg:$0x1];
	s2 =	simm.s32 $0x0;
	s12 =	simm.s32 $0x2800  }
0x4: {  	s13 =	simm.s32 $0x80;
	s14 =	simm.s32 $0x5000;
	s15 =	simm.s32 $0x1  }
0x5: {  	s16 =	simm.s32 $0x0;
	s5 =	sand.u32 $0x1, s1;
	s8 =	smul.u32 $0x13C00, s0  }
0x6: {  	s29 =	sshll.u32 s0, $0x1;
	[smem:$0x7FF] =	sst s2;
	s10 =	smul.u32 $0x4F000, s0  }
0x7: {  	s31 =	sshll.u32 s0, $0x6;
	s1 =	sor.u32 s5, s29;
	s4 =	smul.u32 $0x13C000, s5  }
0x8: {  	s5 =	ssub.s32 $0x2, s5;
	s3 =	smul.u32 $0x500, s1;
	s1 =	rddreg [dreg:$0x2]  }
0x9: {  	_ =	strace $0x80000050;
	s30 =	sshrl.u32 s5, $0x1;
	s10 =	sshrl.u32 s10, $0x2  }
0xa: {  	s8 =	sadd.s32 s8, s4;
	s4 =	sadd.s32 $0x40C00, s6;
	s11 =	ssub.s32 s5, s30  }
0xb: {  	s10 =	sadd.s32 s10, s7;
	s5 =	sor.u32 $0x1C02, s31;
	s9 =	sadd.s32 s3, s6  }
0xc: {  	s3 =	sadd.s32 $0x19A00, s6;
	s8 =	sshrl.u32 s8, $0x3;
	s10 =	sshrl.u32 s10, $0x3  }
0xd: {  	s8 =	sadd.s32 s8, s6;
	s6 =	sadd.s32 $0x5A00, s9;
	s7 =	sadd.s32 $0xFA00, s9  }
0xe: {  	s9 =	smax.u32 s11, $0x1;
	s11 =	simm.s32 $0x2;
	s8 =	sadd.s32 $0x43400, s8  }
.LBB2_1:
0xf: {  	[spmem:s10], [sflag:s5] =	dma.local [hbm:s4], $0x2780  }
0x10: {  	_ =	swait.ge [sflag:s11], $0x2780  }
0x11: {  	[sflag:s11] =	ssyncset.done $0x0  }
0x12: {  	[sflag:s11] =	ssyncadd.s32 $0xFFFFD880  }
0x13: {  	[tilespmem:s2], [sflag:$0x2] =	stream.linear.gather [hbm4b:s6+s2], $0x2780, $0x38;
	[tilespmem:$0x1CC00] =	vst v63  }
0x14: {  	_ =	swait.ge [sflag:s11], $0x2780  }
0x15: {  	[sflag:s11] =	ssyncset.done $0x0  }
0x16: {  	[sflag:s11] =	ssyncadd.s32 $0xFFFFD880  }
0x17: {  	[tilespmem:s12], [sflag:$0x2] =	stream.linear.gather [hbm4b:s7+s2], $0x2780, $0x38;
	[tilespmem:$0x1CC00] =	vst v63  }
0x18: {  	_ =	swait.ge [sflag:s11], $0x2780  }
0x19: {  	[sflag:s11] =	ssyncset.done $0x0  }
0x1a: {  	[sflag:s11] =	ssyncadd.s32 $0xFFFFD880  }
0x1b: {  	s17 =	simm.s32 $0x0;
	[bflag:$0x0] =	sbarrier.arrive $0xFFFF  }
0x1c: {  	[tilespmem:s14], [sflag:$0x1] =	stream.indirect.gather [hbm4b:s3+s13], $0x80, s17, s13, $0xb8;
	[tilespmem:$0x1CC00] =	vst v63  }
0x1d: {  	_ =	swait.ge [sflag:s15], $0x4000  }
0x1e: {  	s17 =	simm.s32 $0x200;
	[sflag:s15] =	ssyncset.done $0x0  }
.LBB2_2:
0x1f: {  	s18 =	sshra.s32 s17, $0x2;
	[sflag:s15] =	ssyncadd.s32 $0xFFFFC000;
	p0 =	sne.s32 s17, $0x9C00  }
0x20: {  	[tilespmem:s14], [sflag:$0x1] =	stream.indirect.gather [hbm4b:s3+s13], $0x80, s18, s13, $0xb8;
	[tilespmem:$0x1CC00] =	vst v63  }
.Ltmp0:
0x21: {  	_ = 	snop;
	(pc) =	sbr.rel @p0 .LBB2_2-.Ltmp0, $4  }
0x22: {  	_ = 	snop  }
0x23: {  	s17 =	sadd.s32 $0x200, s17  }
0x24: {  	_ =	swait.ge [sflag:s15], $0x4000  }
0x25: {  	[sflag:s15] =	ssyncset.done $0x0  }
0x26: {  	s16 =	sadd.s32 $0x1, s16  }
0x27: {  	[sflag:s15] =	ssyncadd.s32 $0xFFFFC000;
	p0 =	sne.s32 s16, s9  }
.Ltmp1:
0x28: {  	[bflag:$0x0] =	sbarrier.arrive $0xFFFF;
	(pc) =	sbr.rel @p0 .LBB2_1-.Ltmp1, $4  }
0x29: {  	[hbm:s8], [sflag:s5] =	dma.local [spmem:s10], $0x2780  }
0x2a: {  	_ =	swait.ge [sflag:s11], $0x2780  }
0x2b: {  	[sflag:s11] =	ssyncset.done $0x0  }
0x2c: {  	[sflag:s11] =	ssyncadd.s32 $0xFFFFD880  }
0x2d: {  	_ =	sfence.sel $0x180000  }
0x2e: {  	[bflag:$0x0] =	sbarrier.arrive $0xFFFF  }
0x2f: {  	p0 =	sne.s32 s0, $0x0;
	_ =	strace $0x90000050  }
0x30: {  	s0 =	sadd.s32 @!p0 $0x100000, s1;
	[bflag:$0x2] =	sbarrier.arrive $0xFFFF  }
0x31: {  	[sflag:s0] =	ssyncadd.tile.s32 @!p0 $0x1;
	_ =	shalt  }
.Lfunc_end2:
_tile_overlayer_lowered:
.L_overlay_start_2:
0x32: {  	(tag) =	ssettag $0x2  }
0x33: {  	s0 =	rddreg [dreg:$0x0];
	s2 =	stileid.u32  }
0x34: {  	s1 =	rddreg [dreg:$0x1];
	p0 =	sne.s32 s2, $0x0  }
0x35: {  	s3 =	rddreg [dreg:$0x2];
	[bflag:$0x3] =	sbarrier.arrive $0xFFFF;
	s2 =	simm.s32 @!p0 $0x1C02  }
0x36: {  	[timem:s3], [sflag:s2] =	dma.local @!p0 [hbm:s0], s1  }
0x37: {  	s0 =	simm.s32 @!p0 $0x2  }
0x38: {  	_ =	swait.ge @!p0 [sflag:s0], s1  }
0x39: {  	s1 =	ssub.s32 @!p0 $0x0, s1;
	[sflag:s0] =	ssyncset.done @!p0 $0x0  }
0x3a: {  	[sflag:s0] =	ssyncadd.s32 @!p0 s1  }
0x3b: {  	[bflag:$0x3] =	sbarrier.arrive $0xFFFF  }
0x3c: {  	_ =	shalt  }

// kernel: kernel.26.cloned.1.call-start
scs
__scs_entry_jumppad:
0x0: {  	(pc) =	sbr.rel $0x88, $3  }
0x1: {  	(tag) =	ssettag $0x0;
	lr =	simm.s32 $0x1  }
0x2: {  	[smem:$0x3F8F] =	sst lr;
	_ =	strace $0xD0000000  }
0x3: {  	_ = 	snop  }
0x4: {  	_ = 	snop  }
0x5: {  	_ = 	snop  }
0x6: {  	_ = 	snop  }
0x7: {  	_ = 	snop  }
__scs_overlays_trampoline_lowered:
0x8: {  	[smem:$0x3F9E] =	sst s0  }
0x9: {  	[smem:$0x3F9F] =	sst s1  }
0xa: {  	[smem:$0x3FA0] =	sst s2  }
0xb: {  	[smem:$0x3FA1] =	sst s3  }
0xc: {  	[smem:$0x3FA2] =	sst s4  }
0xd: {  	[smem:$0x3FA3] =	sst s5  }
0xe: {  	[smem:$0x3FA4] =	sst s6  }
0xf: {  	[smem:$0x3FA5] =	sst s7  }
0x10: {  	[smem:$0x3FA6] =	sst s8  }
0x11: {  	[smem:$0x3FA7] =	sst s9;
	s0 =	simm.s32 @!p0 $0x0  }
0x12: {  	s1 =	sld [smem:$0x3F8D];
	s0 =	simm.s32 @p0 $0x1  }
0x13: {  	[smem:$0x3FA8] =	sst s0;
	s0 =	simm.s32 @!p1 $0x0  }
0x14: {  	s2 =	sld [smem:$0x3F8C];
	s0 =	simm.s32 @p1 $0x1  }
0x15: {  	[smem:$0x3FA9] =	sst s0;
	s0 =	simm.s32 @!p2 $0x0  }
0x16: {  	s3 =	sld [smem:$0x3FDB];
	s0 =	simm.s32 @p2 $0x1  }
0x17: {  	s4 =	simm.s32 $0x1BF5;
	[smem:$0x3FAB] =	sst s0  }
0x18: {  	s0 =	sld [smem:$0x3F8E];
	_ =	swait.ge [sflag:s4], $0x0  }
0x19: {  	s7 =	sld [smem:$0x3F8F]  }
0x1a: {  	s8 =	sadd.s32 $0xFFFFE003, lr  }
0x1b: {  	s9 =	sadd.s32 $0xFFFFFEF7, lr;
	s5 =	simm.s32 $0xFFFFFFFF;
	p2 =	slt.u32 s8, $0xFFFFF086  }
0x1c: {  	p1 =	slt.u32 s9, $0xF7A;
	s5 =	simm.s32 @!p2 $0x0  }
0x1d: {  	s5 =	simm.s32 @p1 $0x1;
	p0 =	seq.s32 s7, s2  }
0x1e: {  	s7 =	smul.u32 @!p0 $0xF7A, s2;
	p2 =	seq.s32 @!p0 s5, $0x0  }
0x1f: {  	s9 =	smul.u32 $0xF7A, s1;
	s8 =	simm.s32 @!p0 $0x1BF5;
	p2 =	por !p2, p0  }
0x20: {  	[sflag:s8] =	ssyncset.s32 @!p0 $0xFFFFF086;
	s6 =	sadd.s32 @!p0 s3, s7;
	s7 =	simm.s32 @!p0 $0x108  }
0x21: {  	s3 =	sadd.s32 s3, s9;
	s6 =	sadd.s32 @!p0 $0x88, s6;
	s7 =	simm.s32 @p2 $0x1082  }
0x22: {  	[simem:s7], [sflag:s8] =	dma.local @!p0 [hbm:s6], $0xF7A  }
0x23: {  	s9 =	sor.u32 $0xD0000000, s2;
	s6 =	simm.s32 $0x108;
	_ =	swait.ge @!p0 [sflag:s8], $0x0  }
0x24: {  	s3 =	sadd.s32 $0x88, s3;
	s6 =	simm.s32 @!p1 $0x1082;
	[sflag:s4] =	ssyncset.s32 $0xFFFFF086  }
0x25: {  	[simem:s6], [sflag:s4] =	dma.local [hbm:s3], $0xF7A  }
0x26: {  	[smem:$0x3F8F] =	sst s1;
	(tag) =	ssettag s2;
	_ =	strace s9  }
0x27: {  	s1 =	sld [smem:$0x3F9F]  }
0x28: {  	s2 =	sld [smem:$0x3FA0]  }
0x29: {  	s4 =	sld [smem:$0x3FA2]  }
0x2a: {  	p0 =	seq.s32 s5, $0x0;
	s5 =	sld [smem:$0x3FA3]  }
0x2b: {  	s6 =	sld [smem:$0x3FA4]  }
0x2c: {  	s7 =	sld [smem:$0x3FA5]  }
0x2d: {  	s3 =	simm.s32 $0x108;
	s8 =	sld [smem:$0x3FA6]  }
0x2e: {  	s3 =	simm.s32 @!p0 $0x1082;
	s9 =	sld [smem:$0x3FA7]  }
0x2f: {  	lr =	sadd.s32 s0, s3;
	s0 =	sld [smem:$0x3F9E]  }
0x30: {  	s3 =	sld [smem:$0x3FA1]  }
0x31: {  	[smem:$0x3FAA] =	sst s10  }
0x32: {  	s10 =	sld [smem:$0x3FA8];
	_ =	sdelay $0x3  }
0x33: {  	p0 =	seq.s32 s10, $0x1;
	s10 =	sld [smem:$0x3FAA];
	_ =	sdelay $0x3  }
0x34: {  	[smem:$0x3FAA] =	sst s10  }
0x35: {  	s10 =	sld [smem:$0x3FA9];
	_ =	sdelay $0x3  }
0x36: {  	p1 =	seq.s32 s10, $0x1;
	s10 =	sld [smem:$0x3FAA];
	_ =	sdelay $0x3  }
0x37: {  	[smem:$0x3FAA] =	sst s10  }
0x38: {  	s10 =	sld [smem:$0x3FAB]  }
0x39: {  	_ = 	snop;
	(pc) =	sbr.ind lr, $3  }
0x3a: {  	_ = 	snop  }
0x3b: {  	_ = 	snop  }
0x3c: {  	p2 =	seq.s32 s10, $0x1;
	s10 =	sld [smem:$0x3FAA]  }
0x3d: {  	_ =	shalt  }
0x3e: {  	_ =	shalt  }
0x3f: {  	_ =	shalt  }
0x40: {  	_ =	shalt  }
0x41: {  	_ =	shalt  }
0x42: {  	_ =	shalt  }
0x43: {  	_ =	shalt  }
0x44: {  	_ =	shalt  }
0x45: {  	_ =	shalt  }
0x46: {  	_ =	shalt  }
0x47: {  	_ =	shalt  }
0x48: {  	_ =	shalt  }
0x49: {  	_ =	shalt  }
0x4a: {  	_ =	shalt  }
0x4b: {  	_ =	shalt  }
0x4c: {  	_ =	shalt  }
0x4d: {  	_ =	shalt  }
0x4e: {  	_ =	shalt  }
0x4f: {  	_ =	shalt  }
0x50: {  	_ =	shalt  }
0x51: {  	_ =	shalt  }
0x52: {  	_ =	shalt  }
0x53: {  	_ =	shalt  }
0x54: {  	_ =	shalt  }
0x55: {  	_ =	shalt  }
0x56: {  	_ =	shalt  }
0x57: {  	_ =	shalt  }
0x58: {  	_ =	shalt  }
0x59: {  	_ =	shalt  }
0x5a: {  	_ =	shalt  }
0x5b: {  	_ =	shalt  }
0x5c: {  	_ =	shalt  }
0x5d: {  	_ =	shalt  }
0x5e: {  	_ =	shalt  }
0x5f: {  	_ =	shalt  }
0x60: {  	_ =	shalt  }
0x61: {  	_ =	shalt  }
0x62: {  	_ =	shalt  }
0x63: {  	_ =	shalt  }
0x64: {  	_ =	shalt  }
0x65: {  	_ =	shalt  }
0x66: {  	_ =	shalt  }
0x67: {  	_ =	shalt  }
0x68: {  	_ =	shalt  }
0x69: {  	_ =	shalt  }
0x6a: {  	_ =	shalt  }
0x6b: {  	_ =	shalt  }
0x6c: {  	_ =	shalt  }
0x6d: {  	_ =	shalt  }
0x6e: {  	_ =	shalt  }
0x6f: {  	_ =	shalt  }
0x70: {  	_ =	shalt  }
0x71: {  	_ =	shalt  }
0x72: {  	_ =	shalt  }
0x73: {  	_ =	shalt  }
0x74: {  	_ =	shalt  }
0x75: {  	_ =	shalt  }
0x76: {  	_ =	shalt  }
0x77: {  	_ =	shalt  }
0x78: {  	_ =	shalt  }
0x79: {  	_ =	shalt  }
0x7a: {  	_ =	shalt  }
0x7b: {  	_ =	shalt  }
0x7c: {  	_ =	shalt  }
0x7d: {  	_ =	shalt  }
0x7e: {  	_ =	shalt  }
0x7f: {  	_ =	shalt  }
0x80: {  	_ =	shalt  }
0x81: {  	_ =	shalt  }
0x82: {  	_ =	shalt  }
0x83: {  	_ =	shalt  }
0x84: {  	_ =	shalt  }
0x85: {  	_ =	shalt  }
0x86: {  	_ =	shalt  }
0x87: {  	_ =	shalt  }
.Lfunc_end0:
.L_simem_size_0:
called_computation.4_lowered:
.L_overlay_start_0:
0x88: {  	s2 =	sld [smem:$0x3FD9]  }
0x89: {  	s3 =	sld [smem:$0x3FFE];
	_ =	sdelay $0x1  }
0x8a: {  	s1 =	srdreg.scid  }
0x8b: {  	s0 =	sand.u32 $0x1, s1  }
0x8c: {  	s16 =	sshll.u32 s0, $0xA;
	s2 =	sadd.s32 s3, s2  }
0x8d: {  	s2 =	sadd.s32 s2, s16  }
0x8e: {  	[smem:$0x3FB6] =	sst s2  }
0x8f: {  	_ = 	snop  }
0x90: {  	(tm) =	ssettm $0x1  }
0x91: {  	s17 =	sld [smem:$0x3FFB];
	_ =	sdelay $0x3  }
0x92: {  	_ =	strace s17  }
0x93: {  	s2 =	sld [smem:$0x3FFC];
	_ =	sdelay $0x3  }
0x94: {  	_ =	strace s2  }
0x95: {  	s2 =	sld [smem:$0x3FFD];
	_ =	sdelay $0x3  }
0x96: {  	_ =	strace s2  }
0x97: {  	_ =	strace $0x8FFFFFFF  }
0x98: {  	s18 =	sld [smem:$0x3FDB];
	_ =	sdelay $0x1  }
0x99: {  	s19 =	simm.s32 $_scs_section_size  }
0x9a: {  	s4 =	simm.s32 $_size__tile_overlayer_lowered;
	s5 =	simm.s32 $_tile_overlayer_lowered  }
0x9b: {  	s22 =	simm.s32 $0x1BFF;
	s21 =	sshll.u32 s5, $0x1;
	s2 =	sadd.s32 s19, s18  }
0x9c: {  	s6 =	simm.s32 $0x0;
	s20 =	sshll.u32 s4, $0x1;
	s4 =	sadd.s32 s21, s2  }
0x9d: {  	[timem:s6], [sflag:s22] =	dma.local [hbm:s4], s20  }
0x9e: {  	_ =	swait.ge [sflag:s22], s20  }
0x9f: {  	s3 =	ssub.s32 $0x0, s20;
	[sflag:s22] =	ssyncset.done $0x0  }
0xa0: {  	[sflag:s22] =	ssyncadd.s32 s3;
	_ =	sdelay $0x1  }
0xa1: {  	s23 =	simm.s32 $0x1B8B  }
0xa2: {  	_ =	swait.ge [sflag:s23], $0x1  }
0xa3: {  	[sflag:s23] =	ssyncset.done $0x0  }
0xa4: {  	s25 =	simm.s32 $0x1B8E;
	s24 =	sld [smem:$0x3FFE];
	[sflag:s23] =	ssyncadd.s32 $0xFFFFFFFF  }
0xa5: {  	s26 =	simm.s32 $execute0_lowered;
	[smem:$0x3FD2] =	sst s25  }
0xa6: {  	s4 =	sshll.u32 s26, $0x1;
	_ =	strace $0x80000052;
	[dreg:$0x1] =	wrdreg $0xFFFFFFFF  }
0xa7: {  	s28 =	simm.s32 $_size_execute0_lowered;
	s2 =	sadd.s32 s2, s4;
	[dreg:$0x0] =	wrdreg $0x0  }
0xa8: {  	s4 =	sshll.u32 s28, $0x1;
	[dreg:$0x2] =	wrdreg s2  }
0xa9: {  	[dreg:$0x3] =	wrdreg s4  }
0xaa: {  	[dreg:$0x4] =	wrdreg $0xC0  }
0xab: {  	_ =	task [dreg:s6], $0x5FFFF  }
0xac: {  	[dreg:$0x1] =	wrdreg $0xFFFFFFFF  }
0xad: {  	[dreg:$0x0] =	wrdreg $0x60  }
0xae: {  	[dreg:$0x2] =	wrdreg s24  }
0xaf: {  	[dreg:$0x3] =	wrdreg $0x90000  }
0xb0: {  	[dreg:$0x4] =	wrdreg $0x9  }
0xb1: {  	_ =	task.clear_ibuf [dreg:s6], $0x5FFFF;
	_ =	strace $0x90000052  }
0xb2: {  	s29 =	simm.s32 $0x9;
	_ =	strace $0x80000054  }
0xb3: {  	_ =	swait.ge [sflag:s29], $0x1  }
0xb4: {  	[sflag:s29] =	ssyncadd.s32 $0xFFFFFFFF  }
0xb5: {  	_ =	strace $0x90000054  }
0xb6: {  	_ =	sfence  }
0xb7: {  	s30 =	sld [smem:$0x0];
	_ =	sdelay $0x2  }
0xb8: {  	s31 =	sshll.u32 s1, $0xD;
	s1 =	sshrl.u32 s1, $0x2  }
0xb9: {  	s3 =	sand.u32 $0x4000, s31;
	s1 =	sadd.s32 s1, s30  }
0xba: {  	s0 =	sor.u32 s3, s0;
	s1 =	sshll.u32 s1, $0x11  }
0xbb: {  	s0 =	sor.u32 s1, s0  }
0xbc: {  	s0 =	sadd.s32 $0x8F2B, s0  }
0xbd: {  	[sflag:s0] =	ssyncadd.remote.s32 $0x1  }
0xbe: {  	_ =	sfence.sel $0xFFFF  }
0xbf: {  	[dreg:$0x0] =	wrdreg $0xFFFFFFFF;
	(pc) =	sbr.abs _section_cstart, $3  }
0xc0: {  	[dreg:$0x1] =	wrdreg $0xFFFFFFFF  }
0xc1: {  	_ =	task.clear_ibuf [dreg:s6], $0x2FFFF;
	_ =	strace $0x9FFFFFFF  }
0xc2: {  	(tm) =	ssettm $0x7FFFFFFF  }
0xc3: {  	_ =	shalt  }
tec
execute0_lowered:
.L_overlay_start_1:
0x0: {  	(tag) =	ssettag $0x1  }
0x1: {  	s1 =	srdreg.scid  }
0x2: {  	s0 =	stileid.u32;
	s6 =	rddreg [dreg:$0x0]  }
0x3: {  	s7 =	rddreg [dreg:$0x1];
	s2 =	simm.s32 $0x0;
	s12 =	simm.s32 $0x2800  }
0x4: {  	s13 =	simm.s32 $0x80;
	s14 =	simm.s32 $0x5000;
	s15 =	simm.s32 $0x1  }
0x5: {  	s16 =	simm.s32 $0x0;
	s5 =	sand.u32 $0x1, s1;
	s8 =	smul.u32 $0x13C00, s0  }
0x6: {  	s29 =	sshll.u32 s0, $0x1;
	[smem:$0x7FF] =	sst s2;
	s10 =	smul.u32 $0x4F000, s0  }
0x7: {  	s31 =	sshll.u32 s0, $0x6;
	s1 =	sor.u32 s5, s29;
	s4 =	smul.u32 $0x13C000, s5  }
0x8: {  	s5 =	ssub.s32 $0x2, s5;
	s3 =	smul.u32 $0x500, s1;
	s1 =	rddreg [dreg:$0x2]  }
0x9: {  	_ =	strace $0x80000053;
	s30 =	sshrl.u32 s5, $0x1;
	s10 =	sshrl.u32 s10, $0x2  }
0xa: {  	s8 =	sadd.s32 s8, s4;
	s4 =	sadd.s32 $0x40C00, s6;
	s11 =	ssub.s32 s5, s30  }
0xb: {  	s10 =	sadd.s32 s10, s7;
	s5 =	sor.u32 $0x1C02, s31;
	s9 =	sadd.s32 s3, s6  }
0xc: {  	s3 =	sadd.s32 $0x19A00, s6;
	s8 =	sshrl.u32 s8, $0x3;
	s10 =	sshrl.u32 s10, $0x3  }
0xd: {  	s8 =	sadd.s32 s8, s6;
	s6 =	sadd.s32 $0x5A00, s9;
	s7 =	sadd.s32 $0xFA00, s9  }
0xe: {  	s9 =	smax.u32 s11, $0x1;
	s11 =	simm.s32 $0x2;
	s8 =	sadd.s32 $0x43400, s8  }
.LBB2_1:
0xf: {  	[spmem:s10], [sflag:s5] =	dma.local [hbm:s4], $0x2780  }
0x10: {  	_ =	swait.ge [sflag:s11], $0x2780  }
0x11: {  	[sflag:s11] =	ssyncset.done $0x0  }
0x12: {  	[sflag:s11] =	ssyncadd.s32 $0xFFFFD880  }
0x13: {  	[tilespmem:s2], [sflag:$0x2] =	stream.linear.gather [hbm4b:s6+s2], $0x2780, $0x38;
	[tilespmem:$0x1CC00] =	vst v63  }
0x14: {  	_ =	swait.ge [sflag:s11], $0x2780  }
0x15: {  	[sflag:s11] =	ssyncset.done $0x0  }
0x16: {  	[sflag:s11] =	ssyncadd.s32 $0xFFFFD880  }
0x17: {  	[tilespmem:s12], [sflag:$0x2] =	stream.linear.gather [hbm4b:s7+s2], $0x2780, $0x38;
	[tilespmem:$0x1CC00] =	vst v63  }
0x18: {  	_ =	swait.ge [sflag:s11], $0x2780  }
0x19: {  	[sflag:s11] =	ssyncset.done $0x0  }
0x1a: {  	[sflag:s11] =	ssyncadd.s32 $0xFFFFD880  }
0x1b: {  	s17 =	simm.s32 $0x0;
	[bflag:$0x0] =	sbarrier.arrive $0xFFFF  }
0x1c: {  	[tilespmem:s14], [sflag:$0x1] =	stream.indirect.gather [hbm4b:s3+s13], $0x80, s17, s13, $0xb8;
	[tilespmem:$0x1CC00] =	vst v63  }
0x1d: {  	_ =	swait.ge [sflag:s15], $0x4000  }
0x1e: {  	s17 =	simm.s32 $0x200;
	[sflag:s15] =	ssyncset.done $0x0  }
.LBB2_2:
0x1f: {  	s18 =	sshra.s32 s17, $0x2;
	[sflag:s15] =	ssyncadd.s32 $0xFFFFC000;
	p0 =	sne.s32 s17, $0x9C00  }
0x20: {  	[tilespmem:s14], [sflag:$0x1] =	stream.indirect.gather [hbm4b:s3+s13], $0x80, s18, s13, $0xb8;
	[tilespmem:$0x1CC00] =	vst v63  }
.Ltmp0:
0x21: {  	_ = 	snop;
	(pc) =	sbr.rel @p0 .LBB2_2-.Ltmp0, $4  }
0x22: {  	_ = 	snop  }
0x23: {  	s17 =	sadd.s32 $0x200, s17  }
0x24: {  	_ =	swait.ge [sflag:s15], $0x4000  }
0x25: {  	[sflag:s15] =	ssyncset.done $0x0  }
0x26: {  	s16 =	sadd.s32 $0x1, s16  }
0x27: {  	[sflag:s15] =	ssyncadd.s32 $0xFFFFC000;
	p0 =	sne.s32 s16, s9  }
.Ltmp1:
0x28: {  	[bflag:$0x0] =	sbarrier.arrive $0xFFFF;
	(pc) =	sbr.rel @p0 .LBB2_1-.Ltmp1, $4  }
0x29: {  	[hbm:s8], [sflag:s5] =	dma.local [spmem:s10], $0x2780  }
0x2a: {  	_ =	swait.ge [sflag:s11], $0x2780  }
0x2b: {  	[sflag:s11] =	ssyncset.done $0x0  }
0x2c: {  	[sflag:s11] =	ssyncadd.s32 $0xFFFFD880  }
0x2d: {  	_ =	sfence.sel $0x180000  }
0x2e: {  	[bflag:$0x0] =	sbarrier.arrive $0xFFFF  }
0x2f: {  	p0 =	sne.s32 s0, $0x0;
	_ =	strace $0x90000053  }
0x30: {  	s0 =	sadd.s32 @!p0 $0x100000, s1;
	[bflag:$0x2] =	sbarrier.arrive $0xFFFF  }
0x31: {  	[sflag:s0] =	ssyncadd.tile.s32 @!p0 $0x1;
	_ =	shalt  }
.Lfunc_end2:
_tile_overlayer_lowered:
.L_overlay_start_2:
0x32: {  	(tag) =	ssettag $0x2  }
0x33: {  	s0 =	rddreg [dreg:$0x0];
	s2 =	stileid.u32  }
0x34: {  	s1 =	rddreg [dreg:$0x1];
	p0 =	sne.s32 s2, $0x0  }
0x35: {  	s3 =	rddreg [dreg:$0x2];
	[bflag:$0x3] =	sbarrier.arrive $0xFFFF;
	s2 =	simm.s32 @!p0 $0x1C02  }
0x36: {  	[timem:s3], [sflag:s2] =	dma.local @!p0 [hbm:s0], s1  }
0x37: {  	s0 =	simm.s32 @!p0 $0x2  }
0x38: {  	_ =	swait.ge @!p0 [sflag:s0], s1  }
0x39: {  	s1 =	ssub.s32 @!p0 $0x0, s1;
	[sflag:s0] =	ssyncset.done @!p0 $0x0  }
0x3a: {  	[sflag:s0] =	ssyncadd.s32 @!p0 s1  }
0x3b: {  	[bflag:$0x3] =	sbarrier.arrive $0xFFFF  }
0x3c: {  	_ =	shalt  }

</sc_bundles>
